<compile_context>
chip_gen: v7x
topology: tpu7x:2x2x1
jax: 0.10.2.dev20260603
libtpu: 0.0.44.dev20260713+nightly
codegen_flags: <defaults>
</compile_context>

<pallas_src>
import functools

import jax
import jax.numpy as jnp
from jax import lax
from jax.experimental import pallas as pl
from jax.experimental.pallas import tpu as pltpu
from jax.experimental.pallas import tpu_sc as plsc

N = 10000
E = 320000
NFEAT = 128
NHID = 128
NCLASS = 16
STEP = 0.1

NC = 2
NS = 16
NW = NC * NS

LANE = 128
CH0 = 96
CH1 = 64
CHM = 96
EPAD = NS * (CH0 + CH1) * LANE
NPAD = 10240
RPT = NPAD // NS

_mesh = plsc.VectorSubcoreMesh(core_axis_name="c", subcore_axis_name="s")



@functools.partial(
    pl.kernel,
    out_type=jax.ShapeDtypeStruct((NC, NPAD), jnp.float32),
    mesh=_mesh,
    scratch_types=[
        pltpu.VMEM((CHM, LANE), jnp.int32),
        pltpu.VMEM((RPT,), jnp.float32),
        pltpu.VMEM((LANE,), jnp.float32),
        pltpu.VMEM_SHARED((NPAD,), jnp.float32),
    ],
)
def _deg_kernel(dst_hbm, out_hbm, dst_v, zero_v, ones_v, deg_sh):
    c = lax.axis_index("c")
    s = lax.axis_index("s")
    gid = c * NS + s

    def fill(i, _):
        zero_v[pl.ds(i * 16, 16)] = jnp.zeros((16,), jnp.float32)
        return _

    lax.fori_loop(0, RPT // 16, fill, 0)
    for j in range(LANE // 16):
        ones_v[pl.ds(j * 16, 16)] = jnp.full((16,), 1.0, jnp.float32)

    pltpu.sync_copy(zero_v, deg_sh.at[pl.ds(s * RPT, RPT)])
    plsc.subcore_barrier()

    pltpu.sync_copy(dst_hbm.at[gid], dst_v)

    def step(ch, _):
        pltpu.sync_copy(ones_v, deg_sh.at[dst_v.at[ch]], add=True)
        return _

    lax.fori_loop(0, CHM, step, 0)
    plsc.subcore_barrier()
    pltpu.sync_copy(deg_sh.at[pl.ds(s * RPT, RPT)],
                    out_hbm.at[c, pl.ds(s * RPT, RPT)])


@functools.partial(
    pl.kernel,
    out_type=jax.ShapeDtypeStruct((NC, NPAD, NHID), jnp.float32),
    mesh=_mesh,
    scratch_types=[
        pltpu.VMEM((CHM, LANE), jnp.int32),
        pltpu.VMEM((CHM, LANE), jnp.int32),
        pltpu.VMEM((LANE, NHID), jnp.float32),
        pltpu.VMEM_SHARED((NPAD, NHID), jnp.float32),
        pltpu.SemaphoreType.DMA,
    ],
)
def _spmm_kernel(table_hbm, src_hbm, dst_hbm, out_hbm,
                 src_v, dst_v, rows_v, acc_sh, gsem):
    c = lax.axis_index("c")
    s = lax.axis_index("s")
    gid = c * NS + s

    def fill(i, _):
        r = i // (NHID // 16)
        j = i - r * (NHID // 16)
        rows_v[r, pl.ds(j * 16, 16)] = jnp.zeros((16,), jnp.float32)
        return _

    lax.fori_loop(0, LANE * (NHID // 16), fill, 0)
    for b in range(RPT // LANE):
        pltpu.sync_copy(rows_v, acc_sh.at[pl.ds(s * RPT + b * LANE, LANE)])
    plsc.subcore_barrier()

    pltpu.sync_copy(src_hbm.at[gid], src_v)
    pltpu.sync_copy(dst_hbm.at[gid], dst_v)

    def step(ch, _):
        pltpu.async_copy(table_hbm.at[src_v.at[ch]], rows_v, gsem).wait()
        pltpu.sync_copy(rows_v, acc_sh.at[dst_v.at[ch]], add=True)
        return _

    @pl.when(c == 0)
    def _loop0():
        lax.fori_loop(0, CH0, step, 0)

    @pl.when(c != 0)
    def _loop1():
        lax.fori_loop(0, CH1, step, 0)
    plsc.subcore_barrier()
    for b in range(RPT // LANE):
        r = s * RPT + b * LANE
        pltpu.sync_copy(acc_sh.at[pl.ds(r, LANE)], out_hbm.at[c, pl.ds(r, LANE)])



BLK = 2048


def _enc_body(x_ref, we_ref, om_ref, deg_ref, h_ref, mp_ref, dinv_ref):
    h = jnp.dot(x_ref[...], we_ref[...], preferred_element_type=jnp.float32)
    d = deg_ref[...]
    dinv = lax.rsqrt(d[:, 0:1] + d[:, 1:2] + 1.0)
    om = om_ref[...]
    wsym = 0.5 * (om + om.T)
    m = jnp.dot(h, wsym, preferred_element_type=jnp.float32)
    h_ref[...] = h
    mp_ref[...] = dinv * m
    dinv_ref[...] = dinv


def _layer_body(h_ref, h0_ref, p_ref, mp_ref, dinv_ref, wext_ref, beta_ref,
                om_ref, hn_ref, mpn_ref):
    h = h_ref[...]
    mp = mp_ref[...]
    dinv = dinv_ref[...]
    agg = dinv * (p_ref[0] + p_ref[1] + mp)
    dh = agg - h * wext_ref[...] - beta_ref[0, 0] * h0_ref[...]
    hn = h + STEP * dh
    om = om_ref[...]
    wsym = 0.5 * (om + om.T)
    hn_ref[...] = hn
    mpn_ref[...] = dinv * jnp.dot(hn, wsym, preferred_element_type=jnp.float32)


def _final_body(h_ref, h0_ref, p_ref, mp_ref, dinv_ref, wext_ref, beta_ref,
                wd_ref, out_ref):
    h = h_ref[...]
    agg = dinv_ref[...] * (p_ref[0] + p_ref[1] + mp_ref[...])
    dh = agg - h * wext_ref[...] - beta_ref[0, 0] * h0_ref[...]
    hn = h + STEP * dh
    o = jnp.dot(hn, wd_ref[...], preferred_element_type=jnp.float32)
    m = jnp.max(o, axis=1, keepdims=True)
    e = o - m
    lse = jnp.log(jnp.sum(jnp.exp(e), axis=1, keepdims=True))
    out_ref[...] = e - lse


def _rows(i):
    return (i, 0)


def _fixed(i):
    return (0, 0)


def _rows_spec(w):
    return pl.BlockSpec((BLK, w), _rows)


def _full_spec(a, b):
    return pl.BlockSpec((a, b), _fixed)


_GRID = NPAD // BLK


def _enc_call(xp, w_enc, omega, degp_t):
    return pl.pallas_call(
        _enc_body,
        grid=(_GRID,),
        in_specs=[_rows_spec(NFEAT), _full_spec(NFEAT, NHID),
                  _full_spec(NHID, NHID), _rows_spec(2)],
        out_specs=[_rows_spec(NHID), _rows_spec(NHID), _rows_spec(1)],
        out_shape=[jax.ShapeDtypeStruct((NPAD, NHID), jnp.float32),
                   jax.ShapeDtypeStruct((NPAD, NHID), jnp.float32),
                   jax.ShapeDtypeStruct((NPAD, 1), jnp.float32)],
    )(xp, w_enc, omega, degp_t)


def _layer_call(h, h0, parts, mp, dinv, wext2, beta2, omega):
    pspec = pl.BlockSpec((NC, BLK, NHID), lambda i: (0, i, 0))
    return pl.pallas_call(
        _layer_body,
        grid=(_GRID,),
        in_specs=[_rows_spec(NHID), _rows_spec(NHID), pspec, _rows_spec(NHID),
                  _rows_spec(1), _full_spec(1, NHID), _full_spec(1, 1),
                  _full_spec(NHID, NHID)],
        out_specs=[_rows_spec(NHID), _rows_spec(NHID)],
        out_shape=[jax.ShapeDtypeStruct((NPAD, NHID), jnp.float32),
                   jax.ShapeDtypeStruct((NPAD, NHID), jnp.float32)],
    )(h, h0, parts, mp, dinv, wext2, beta2, omega)


def _final_call(h, h0, parts, mp, dinv, wext2, beta2, w_dec):
    pspec = pl.BlockSpec((NC, BLK, NHID), lambda i: (0, i, 0))
    return pl.pallas_call(
        _final_body,
        grid=(_GRID,),
        in_specs=[_rows_spec(NHID), _rows_spec(NHID), pspec, _rows_spec(NHID),
                  _rows_spec(1), _full_spec(1, NHID), _full_spec(1, 1),
                  _full_spec(NHID, NCLASS)],
        out_specs=_rows_spec(NCLASS),
        out_shape=jax.ShapeDtypeStruct((NPAD, NCLASS), jnp.float32),
    )(h, h0, parts, mp, dinv, wext2, beta2, w_dec)



@jax.jit
def kernel(x, adj, w_enc, w_ext, omega, beta, w_dec):
    src = adj[0]
    dst = adj[1]
    pad = jnp.full((EPAD - E,), N, jnp.int32)
    e0 = NS * CH0 * LANE

    def _cpad(part, ch):
        if ch == CHM:
            return part
        fill = jnp.full((NS, CHM - ch, LANE), N, jnp.int32)
        return jnp.concatenate([part, fill], axis=1)

    def _tile_layout(flat):
        p0 = _cpad(flat[:e0].reshape(NS, CH0, LANE), CH0)
        p1 = _cpad(flat[e0:].reshape(NS, CH1, LANE), CH1)
        return jnp.concatenate([p0, p1], axis=0)

    src_p = _tile_layout(jnp.concatenate([src, pad]))
    dst_p = _tile_layout(jnp.concatenate([dst, pad]))
    xp = jnp.zeros((NPAD, NFEAT), jnp.float32).at[:N].set(x)
    wext2 = w_ext.reshape(1, NHID)
    beta2 = beta.reshape(1, 1)

    degp = _deg_kernel(dst_p)
    h, mp1, dinv = _enc_call(xp, w_enc, omega, degp.T)
    parts1 = _spmm_kernel(mp1, src_p, dst_p)
    h1, mp2 = _layer_call(h, h, parts1, mp1, dinv, wext2, beta2, omega)
    parts2 = _spmm_kernel(mp2, src_p, dst_p)
    out = _final_call(h1, h, parts2, mp2, dinv, wext2, beta2, w_dec)
    return out[:N]

# --- scband reference (transcript-rebuilt; emitter-appended) ---
"""Pipeline reference for scband-graffnet-42056319762544 (READ-ONLY COPY).

The authoritative reference and input builder live on the scoring server;
editing this copy changes nothing except your own understanding.
"""

import jax, jax.numpy as jnp
import numpy as np

N = 10000
E = 320000
NFEAT = 128
NHID = 128
NCLASS = 16
STEP = 0.1
LAYERS = 2


def setup_inputs(seed: int = 0) -> dict:
    key = jax.random.key(seed)
    ks = jax.random.split(key, 8)
    x = jax.random.normal(ks[0], (N, NFEAT), dtype=jnp.float32)
    adj = jax.random.randint(ks[1], (2, E), 0, N, dtype=jnp.int32)
    s = 1.0 / np.sqrt(NFEAT)
    w_enc = jax.random.uniform(ks[2], (NFEAT, NHID), jnp.float32, -s, s)
    w_ext = jax.random.uniform(ks[3], (NHID,), jnp.float32, -1.0 / np.sqrt(NHID), 1.0 / np.sqrt(NHID))
    omega = jax.random.uniform(ks[4], (NHID, NHID), jnp.float32, -1.0 / np.sqrt(NHID), 1.0 / np.sqrt(NHID))
    beta = jax.random.normal(ks[5], (), dtype=jnp.float32)
    w_dec = jax.random.uniform(ks[6], (NHID, NCLASS), jnp.float32, -1.0 / np.sqrt(NHID), 1.0 / np.sqrt(NHID))
    return {"x": x, "adj": adj, "w_enc": w_enc, "w_ext": w_ext, "omega": omega, "beta": beta, "w_dec": w_dec}


def reference(x, adj, w_enc, w_ext, omega, beta, w_dec):
    # to_edge_index(adj): adj already carries COO edge_index
    edge_index = adj
    # encoder (Linear, bias=False)
    h = x @ w_enc
    h0 = h
    # Pairwise: symmetric parametrization W = (Omega + Omega^T)/2
    W_sym = 0.5 * (omega + omega.T)
    # add self loops + GCN normalization (graffgcn)
    loop = jnp.arange(N, dtype=edge_index.dtype)
    src = jnp.concatenate([edge_index[0], loop])
    dst = jnp.concatenate([edge_index[1], loop])
    deg = jnp.zeros((N,), jnp.float32).at[dst].add(1.0)
    dinv = jnp.where(deg > 0, deg ** -0.5, 0.0)
    norm = dinv[src] * dinv[dst]
    for _ in range(LAYERS):
        # GRAFFConv: A_hat (h W_sym) - diag(w_ext) h - beta * h0
        m = h @ W_sym
        agg = jnp.zeros_like(h).at[dst].add(norm[:, None] * m[src])
        dh = agg - h * w_ext[None, :] - beta * h0
        # linear=True: residual Euler step without nonlinearity
        h = h + STEP * dh
    out = h @ w_dec
    return jax.nn.log_softmax(out, axis=1)

if __name__ == "__main__":
    import jax
    _d = setup_inputs()
    print(jax.jit(kernel)(*tuple(_d.values())))

</pallas_src>

<mosaic_0001>
#map = affine_map<(d0, d1) -> (0, 0)>
#map1 = affine_map<(d0, d1) -> (0, 0, 0)>
module attributes {stable_mosaic.version = 14 : i64} {
  func.func @_spmm_kernel(%arg0: i32, %arg1: i32, %arg2: memref<10240x128xf32, #tpu.memory_space<hbm>>, %arg3: memref<32x96x128xi32, #tpu.memory_space<hbm>>, %arg4: memref<32x96x128xi32, #tpu.memory_space<hbm>>, %arg5: memref<2x10240x128xf32, #tpu.memory_space<hbm>>, %arg6: memref<96x128xi32, #tpu.memory_space<vmem>>, %arg7: memref<96x128xi32, #tpu.memory_space<vmem>>, %arg8: memref<128x128xf32, #tpu.memory_space<vmem>>, %arg9: memref<10240x128xf32, #tpu.memory_space<vmem_shared>>, %arg10: memref<!tpu.dma_semaphore, #tpu.memory_space<semaphore_mem>>) attributes {dimension_semantics = [#tpu.dimension_semantics<core_parallel>, #tpu.dimension_semantics<subcore_parallel>], iteration_bounds = array<i64: 2, 16>, scalar_prefetch = 0 : i64, scratch_operands = 5 : i64, tpu.core_type = #tpu.core_type<sc_vector_subcore>, window_params = [{transform_indices = #map}, {transform_indices = #map1}, {transform_indices = #map1}, {transform_indices = #map1}]} {
    %mul3A = arith.constant 16 : i32
    %mul3A_0 = arith.muli %arg0, %mul3A : i32
    %add3A = arith.addi %mul3A_0, %arg1 : i32
    %scan3A = arith.constant 0 : i32
    %scan3A_1 = arith.constant 0 : i32
    %scan3A_2 = arith.constant 1024 : i32
    %scan3A_3 = arith.addi %scan3A_1, %scan3A_2 : i32
    %scan3A_4 = arith.constant 1 : i32
    scf.for %scan3A_53 = %scan3A_1 to %scan3A_3 step %scan3A_4  : i32 {
      %jit3A = arith.constant 8 : i32
      %div3A = arith.divsi %scan3A_53, %jit3A : i32
      %sign3A = arith.constant 0 : i32
      %sign3A_54 = arith.cmpi sgt, %scan3A_53, %sign3A : i32
      %sign3A_55 = arith.extui %sign3A_54 : i1 to i32
      %sign3A_56 = arith.constant 0 : i32
      %sign3A_57 = arith.cmpi slt, %scan3A_53, %sign3A_56 : i32
      %sign3A_58 = arith.extui %sign3A_57 : i1 to i32
      %sign3A_59 = arith.subi %sign3A_55, %sign3A_58 : i32
      %sign3A_60 = arith.constant 0 : i32
      %sign3A_61 = arith.cmpi sgt, %jit3A, %sign3A_60 : i32
      %sign3A_62 = arith.extui %sign3A_61 : i1 to i32
      %sign3A_63 = arith.constant 0 : i32
      %sign3A_64 = arith.cmpi slt, %jit3A, %sign3A_63 : i32
      %sign3A_65 = arith.extui %sign3A_64 : i1 to i32
      %sign3A_66 = arith.subi %sign3A_62, %sign3A_65 : i32
      %ne3A_67 = arith.cmpi ne, %sign3A_59, %sign3A_66 : i32
      %rem3A = arith.remsi %scan3A_53, %jit3A : i32
      %ne3A_68 = arith.constant 0 : i32
      %ne3A_69 = arith.cmpi ne, %rem3A, %ne3A_68 : i32
      %and3A = arith.andi %ne3A_67, %ne3A_69 : i1
      %sub3A = arith.constant 1 : i32
      %sub3A_70 = arith.subi %div3A, %sub3A : i32
      %select_n3A = arith.select %and3A, %sub3A_70, %div3A : i32
      %mul3A_71 = arith.constant 8 : i32
      %mul3A_72 = arith.muli %select_n3A, %mul3A_71 : i32
      %sub3A_73 = arith.subi %scan3A_53, %mul3A_72 : i32
      %broadcast_in_dim3A = arith.constant 0.000000e+00 : f32
      %broadcast_in_dim3A_74 = vector.broadcast %broadcast_in_dim3A : f32 to vector<16xf32>
      %mul3A_75 = arith.constant 16 : i32
      %mul3A_76 = arith.muli %sub3A_73, %mul3A_75 : i32
      %swap3A = arith.index_cast %select_n3A : i32 to index
      %swap3A_77 = arith.index_cast %mul3A_76 : i32 to index
      %swap3A_78 = tpu.vector_load %arg8[%swap3A, %swap3A_77] {strides = array<i32>} : memref<128x128xf32, #tpu.memory_space<vmem>>, vector<1x16xf32>,
      %swap3A_79 = vector.shape_cast %swap3A_78 : vector<1x16xf32> to vector<16xf32>
      %swap3A_80 = vector.shape_cast %broadcast_in_dim3A_74 : vector<16xf32> to vector<1x16xf32>
      tpu.vector_store %arg8[%swap3A, %swap3A_77], %swap3A_80 {strides = array<i32>} : memref<128x128xf32, #tpu.memory_space<vmem>>, vector<1x16xf32>,
    }
    %scan3A_5 = arith.constant 1024 : i32
    %mul3A_6 = arith.constant 640 : i32
    %mul3A_7 = arith.muli %arg1, %mul3A_6 : i32
    %add3A_8 = arith.constant 0 : i32
    %add3A_9 = arith.addi %mul3A_7, %add3A_8 : i32
    "tpu.region"() ({
      %run_scoped3A = tpu.sem_alloc : memref<!tpu.dma_semaphore, #tpu.memory_space<semaphore_mem>>
      %dma_start3A = arith.constant 0 : i32
      %dma_start3A_53 = tpu.memref_slice %arg9[%add3A_9, %dma_start3A] : memref<10240x128xf32, #tpu.memory_space<vmem_shared>> -> memref<128x128xf32, #tpu.memory_space<vmem_shared>>
      %dma_start3A_54 = arith.constant 0 : i32
      %dma_start3A_55 = tpu.memref_slice %arg9[%add3A_9, %dma_start3A_54] : memref<10240x128xf32, #tpu.memory_space<vmem_shared>> -> memref<128x128xf32, #tpu.memory_space<vmem_shared>>
      tpu.enqueue_dma source(%arg8 : memref<128x128xf32, #tpu.memory_space<vmem>>) target(%dma_start3A_55 : memref<128x128xf32, #tpu.memory_space<vmem_shared>>) target_semaphore(%run_scoped3A : memref<!tpu.dma_semaphore, #tpu.memory_space<semaphore_mem>>)
      %dma_wait3A = arith.constant 0 : i32
      %dma_wait3A_56 = tpu.memref_slice %arg9[%add3A_9, %dma_wait3A] : memref<10240x128xf32, #tpu.memory_space<vmem_shared>> -> memref<128x128xf32, #tpu.memory_space<vmem_shared>>
      %dma_wait3A_57 = arith.constant 0 : i32
      %dma_wait3A_58 = tpu.memref_slice %arg9[%add3A_9, %dma_wait3A_57] : memref<10240x128xf32, #tpu.memory_space<vmem_shared>> -> memref<128x128xf32, #tpu.memory_space<vmem_shared>>
      tpu.wait_dma2 semaphore(%run_scoped3A : memref<!tpu.dma_semaphore, #tpu.memory_space<semaphore_mem>>) src(%arg8 : memref<128x128xf32, #tpu.memory_space<vmem>>) dst(%dma_wait3A_58 : memref<128x128xf32, #tpu.memory_space<vmem_shared>>)
      tpu.yield
    }) : () -> ()
    %mul3A_10 = arith.constant 640 : i32
    %mul3A_11 = arith.muli %arg1, %mul3A_10 : i32
    %add3A_12 = arith.constant 128 : i32
    %add3A_13 = arith.addi %mul3A_11, %add3A_12 : i32
    "tpu.region"() ({
      %run_scoped3A = tpu.sem_alloc : memref<!tpu.dma_semaphore, #tpu.memory_space<semaphore_mem>>
      %dma_start3A = arith.constant 0 : i32
      %dma_start3A_53 = tpu.memref_slice %arg9[%add3A_13, %dma_start3A] : memref<10240x128xf32, #tpu.memory_space<vmem_shared>> -> memref<128x128xf32, #tpu.memory_space<vmem_shared>>
      %dma_start3A_54 = arith.constant 0 : i32
      %dma_start3A_55 = tpu.memref_slice %arg9[%add3A_13, %dma_start3A_54] : memref<10240x128xf32, #tpu.memory_space<vmem_shared>> -> memref<128x128xf32, #tpu.memory_space<vmem_shared>>
      tpu.enqueue_dma source(%arg8 : memref<128x128xf32, #tpu.memory_space<vmem>>) target(%dma_start3A_55 : memref<128x128xf32, #tpu.memory_space<vmem_shared>>) target_semaphore(%run_scoped3A : memref<!tpu.dma_semaphore, #tpu.memory_space<semaphore_mem>>)
      %dma_wait3A = arith.constant 0 : i32
      %dma_wait3A_56 = tpu.memref_slice %arg9[%add3A_13, %dma_wait3A] : memref<10240x128xf32, #tpu.memory_space<vmem_shared>> -> memref<128x128xf32, #tpu.memory_space<vmem_shared>>
      %dma_wait3A_57 = arith.constant 0 : i32
      %dma_wait3A_58 = tpu.memref_slice %arg9[%add3A_13, %dma_wait3A_57] : memref<10240x128xf32, #tpu.memory_space<vmem_shared>> -> memref<128x128xf32, #tpu.memory_space<vmem_shared>>
      tpu.wait_dma2 semaphore(%run_scoped3A : memref<!tpu.dma_semaphore, #tpu.memory_space<semaphore_mem>>) src(%arg8 : memref<128x128xf32, #tpu.memory_space<vmem>>) dst(%dma_wait3A_58 : memref<128x128xf32, #tpu.memory_space<vmem_shared>>)
      tpu.yield
    }) : () -> ()
    %mul3A_14 = arith.constant 640 : i32
    %mul3A_15 = arith.muli %arg1, %mul3A_14 : i32
    %add3A_16 = arith.constant 256 : i32
    %add3A_17 = arith.addi %mul3A_15, %add3A_16 : i32
    "tpu.region"() ({
      %run_scoped3A = tpu.sem_alloc : memref<!tpu.dma_semaphore, #tpu.memory_space<semaphore_mem>>
      %dma_start3A = arith.constant 0 : i32
      %dma_start3A_53 = tpu.memref_slice %arg9[%add3A_17, %dma_start3A] : memref<10240x128xf32, #tpu.memory_space<vmem_shared>> -> memref<128x128xf32, #tpu.memory_space<vmem_shared>>
      %dma_start3A_54 = arith.constant 0 : i32
      %dma_start3A_55 = tpu.memref_slice %arg9[%add3A_17, %dma_start3A_54] : memref<10240x128xf32, #tpu.memory_space<vmem_shared>> -> memref<128x128xf32, #tpu.memory_space<vmem_shared>>
      tpu.enqueue_dma source(%arg8 : memref<128x128xf32, #tpu.memory_space<vmem>>) target(%dma_start3A_55 : memref<128x128xf32, #tpu.memory_space<vmem_shared>>) target_semaphore(%run_scoped3A : memref<!tpu.dma_semaphore, #tpu.memory_space<semaphore_mem>>)
      %dma_wait3A = arith.constant 0 : i32
      %dma_wait3A_56 = tpu.memref_slice %arg9[%add3A_17, %dma_wait3A] : memref<10240x128xf32, #tpu.memory_space<vmem_shared>> -> memref<128x128xf32, #tpu.memory_space<vmem_shared>>
      %dma_wait3A_57 = arith.constant 0 : i32
      %dma_wait3A_58 = tpu.memref_slice %arg9[%add3A_17, %dma_wait3A_57] : memref<10240x128xf32, #tpu.memory_space<vmem_shared>> -> memref<128x128xf32, #tpu.memory_space<vmem_shared>>
      tpu.wait_dma2 semaphore(%run_scoped3A : memref<!tpu.dma_semaphore, #tpu.memory_space<semaphore_mem>>) src(%arg8 : memref<128x128xf32, #tpu.memory_space<vmem>>) dst(%dma_wait3A_58 : memref<128x128xf32, #tpu.memory_space<vmem_shared>>)
      tpu.yield
    }) : () -> ()
    %mul3A_18 = arith.constant 640 : i32
    %mul3A_19 = arith.muli %arg1, %mul3A_18 : i32
    %add3A_20 = arith.constant 384 : i32
    %add3A_21 = arith.addi %mul3A_19, %add3A_20 : i32
    "tpu.region"() ({
      %run_scoped3A = tpu.sem_alloc : memref<!tpu.dma_semaphore, #tpu.memory_space<semaphore_mem>>
      %dma_start3A = arith.constant 0 : i32
      %dma_start3A_53 = tpu.memref_slice %arg9[%add3A_21, %dma_start3A] : memref<10240x128xf32, #tpu.memory_space<vmem_shared>> -> memref<128x128xf32, #tpu.memory_space<vmem_shared>>
      %dma_start3A_54 = arith.constant 0 : i32
      %dma_start3A_55 = tpu.memref_slice %arg9[%add3A_21, %dma_start3A_54] : memref<10240x128xf32, #tpu.memory_space<vmem_shared>> -> memref<128x128xf32, #tpu.memory_space<vmem_shared>>
      tpu.enqueue_dma source(%arg8 : memref<128x128xf32, #tpu.memory_space<vmem>>) target(%dma_start3A_55 : memref<128x128xf32, #tpu.memory_space<vmem_shared>>) target_semaphore(%run_scoped3A : memref<!tpu.dma_semaphore, #tpu.memory_space<semaphore_mem>>)
      %dma_wait3A = arith.constant 0 : i32
      %dma_wait3A_56 = tpu.memref_slice %arg9[%add3A_21, %dma_wait3A] : memref<10240x128xf32, #tpu.memory_space<vmem_shared>> -> memref<128x128xf32, #tpu.memory_space<vmem_shared>>
      %dma_wait3A_57 = arith.constant 0 : i32
      %dma_wait3A_58 = tpu.memref_slice %arg9[%add3A_21, %dma_wait3A_57] : memref<10240x128xf32, #tpu.memory_space<vmem_shared>> -> memref<128x128xf32, #tpu.memory_space<vmem_shared>>
      tpu.wait_dma2 semaphore(%run_scoped3A : memref<!tpu.dma_semaphore, #tpu.memory_space<semaphore_mem>>) src(%arg8 : memref<128x128xf32, #tpu.memory_space<vmem>>) dst(%dma_wait3A_58 : memref<128x128xf32, #tpu.memory_space<vmem_shared>>)
      tpu.yield
    }) : () -> ()
    %mul3A_22 = arith.constant 640 : i32
    %mul3A_23 = arith.muli %arg1, %mul3A_22 : i32
    %add3A_24 = arith.constant 512 : i32
    %add3A_25 = arith.addi %mul3A_23, %add3A_24 : i32
    "tpu.region"() ({
      %run_scoped3A = tpu.sem_alloc : memref<!tpu.dma_semaphore, #tpu.memory_space<semaphore_mem>>
      %dma_start3A = arith.constant 0 : i32
      %dma_start3A_53 = tpu.memref_slice %arg9[%add3A_25, %dma_start3A] : memref<10240x128xf32, #tpu.memory_space<vmem_shared>> -> memref<128x128xf32, #tpu.memory_space<vmem_shared>>
      %dma_start3A_54 = arith.constant 0 : i32
      %dma_start3A_55 = tpu.memref_slice %arg9[%add3A_25, %dma_start3A_54] : memref<10240x128xf32, #tpu.memory_space<vmem_shared>> -> memref<128x128xf32, #tpu.memory_space<vmem_shared>>
      tpu.enqueue_dma source(%arg8 : memref<128x128xf32, #tpu.memory_space<vmem>>) target(%dma_start3A_55 : memref<128x128xf32, #tpu.memory_space<vmem_shared>>) target_semaphore(%run_scoped3A : memref<!tpu.dma_semaphore, #tpu.memory_space<semaphore_mem>>)
      %dma_wait3A = arith.constant 0 : i32
      %dma_wait3A_56 = tpu.memref_slice %arg9[%add3A_25, %dma_wait3A] : memref<10240x128xf32, #tpu.memory_space<vmem_shared>> -> memref<128x128xf32, #tpu.memory_space<vmem_shared>>
      %dma_wait3A_57 = arith.constant 0 : i32
      %dma_wait3A_58 = tpu.memref_slice %arg9[%add3A_25, %dma_wait3A_57] : memref<10240x128xf32, #tpu.memory_space<vmem_shared>> -> memref<128x128xf32, #tpu.memory_space<vmem_shared>>
      tpu.wait_dma2 semaphore(%run_scoped3A : memref<!tpu.dma_semaphore, #tpu.memory_space<semaphore_mem>>) src(%arg8 : memref<128x128xf32, #tpu.memory_space<vmem>>) dst(%dma_wait3A_58 : memref<128x128xf32, #tpu.memory_space<vmem_shared>>)
      tpu.yield
    }) : () -> ()
    %barrier3A = arith.constant 0 : index
    tpu.barrier barrier_id(%barrier3A)
    "tpu.region"() ({
      %run_scoped3A = tpu.sem_alloc : memref<!tpu.dma_semaphore, #tpu.memory_space<semaphore_mem>>
      %dma_start3A = arith.constant 0 : i32
      %dma_start3A_53 = arith.constant 0 : i32
      %dma_start3A_54 = tpu.memref_slice %arg3[%add3A, %dma_start3A, %dma_start3A_53] : memref<32x96x128xi32, #tpu.memory_space<hbm>> -> memref<1x96x128xi32, #tpu.memory_space<hbm>>
      %dma_start3A_55 = tpu.memref_squeeze %dma_start3A_54 : memref<1x96x128xi32, #tpu.memory_space<hbm>> -> memref<96x128xi32, #tpu.memory_space<hbm>>
      %dma_start3A_56 = arith.constant 0 : i32
      %dma_start3A_57 = arith.constant 0 : i32
      %dma_start3A_58 = tpu.memref_slice %arg3[%add3A, %dma_start3A_56, %dma_start3A_57] : memref<32x96x128xi32, #tpu.memory_space<hbm>> -> memref<1x96x128xi32, #tpu.memory_space<hbm>>
      %dma_start3A_59 = tpu.memref_squeeze %dma_start3A_58 : memref<1x96x128xi32, #tpu.memory_space<hbm>> -> memref<96x128xi32, #tpu.memory_space<hbm>>
      tpu.enqueue_dma source(%dma_start3A_59 : memref<96x128xi32, #tpu.memory_space<hbm>>) target(%arg6 : memref<96x128xi32, #tpu.memory_space<vmem>>) target_semaphore(%run_scoped3A : memref<!tpu.dma_semaphore, #tpu.memory_space<semaphore_mem>>)
      %dma_wait3A = arith.constant 0 : i32
      %dma_wait3A_60 = arith.constant 0 : i32
      %dma_wait3A_61 = tpu.memref_slice %arg3[%add3A, %dma_wait3A, %dma_wait3A_60] : memref<32x96x128xi32, #tpu.memory_space<hbm>> -> memref<1x96x128xi32, #tpu.memory_space<hbm>>
      %dma_wait3A_62 = tpu.memref_squeeze %dma_wait3A_61 : memref<1x96x128xi32, #tpu.memory_space<hbm>> -> memref<96x128xi32, #tpu.memory_space<hbm>>
      %dma_wait3A_63 = arith.constant 0 : i32
      %dma_wait3A_64 = arith.constant 0 : i32
      %dma_wait3A_65 = tpu.memref_slice %arg3[%add3A, %dma_wait3A_63, %dma_wait3A_64] : memref<32x96x128xi32, #tpu.memory_space<hbm>> -> memref<1x96x128xi32, #tpu.memory_space<hbm>>
      %dma_wait3A_66 = tpu.memref_squeeze %dma_wait3A_65 : memref<1x96x128xi32, #tpu.memory_space<hbm>> -> memref<96x128xi32, #tpu.memory_space<hbm>>
      tpu.wait_dma2 semaphore(%run_scoped3A : memref<!tpu.dma_semaphore, #tpu.memory_space<semaphore_mem>>) src(%dma_wait3A_66 : memref<96x128xi32, #tpu.memory_space<hbm>>) dst(%arg6 : memref<96x128xi32, #tpu.memory_space<vmem>>)
      tpu.yield
    }) : () -> ()
    "tpu.region"() ({
      %run_scoped3A = tpu.sem_alloc : memref<!tpu.dma_semaphore, #tpu.memory_space<semaphore_mem>>
      %dma_start3A = arith.constant 0 : i32
      %dma_start3A_53 = arith.constant 0 : i32
      %dma_start3A_54 = tpu.memref_slice %arg4[%add3A, %dma_start3A, %dma_start3A_53] : memref<32x96x128xi32, #tpu.memory_space<hbm>> -> memref<1x96x128xi32, #tpu.memory_space<hbm>>
      %dma_start3A_55 = tpu.memref_squeeze %dma_start3A_54 : memref<1x96x128xi32, #tpu.memory_space<hbm>> -> memref<96x128xi32, #tpu.memory_space<hbm>>
      %dma_start3A_56 = arith.constant 0 : i32
      %dma_start3A_57 = arith.constant 0 : i32
      %dma_start3A_58 = tpu.memref_slice %arg4[%add3A, %dma_start3A_56, %dma_start3A_57] : memref<32x96x128xi32, #tpu.memory_space<hbm>> -> memref<1x96x128xi32, #tpu.memory_space<hbm>>
      %dma_start3A_59 = tpu.memref_squeeze %dma_start3A_58 : memref<1x96x128xi32, #tpu.memory_space<hbm>> -> memref<96x128xi32, #tpu.memory_space<hbm>>
      tpu.enqueue_dma source(%dma_start3A_59 : memref<96x128xi32, #tpu.memory_space<hbm>>) target(%arg7 : memref<96x128xi32, #tpu.memory_space<vmem>>) target_semaphore(%run_scoped3A : memref<!tpu.dma_semaphore, #tpu.memory_space<semaphore_mem>>)
      %dma_wait3A = arith.constant 0 : i32
      %dma_wait3A_60 = arith.constant 0 : i32
      %dma_wait3A_61 = tpu.memref_slice %arg4[%add3A, %dma_wait3A, %dma_wait3A_60] : memref<32x96x128xi32, #tpu.memory_space<hbm>> -> memref<1x96x128xi32, #tpu.memory_space<hbm>>
      %dma_wait3A_62 = tpu.memref_squeeze %dma_wait3A_61 : memref<1x96x128xi32, #tpu.memory_space<hbm>> -> memref<96x128xi32, #tpu.memory_space<hbm>>
      %dma_wait3A_63 = arith.constant 0 : i32
      %dma_wait3A_64 = arith.constant 0 : i32
      %dma_wait3A_65 = tpu.memref_slice %arg4[%add3A, %dma_wait3A_63, %dma_wait3A_64] : memref<32x96x128xi32, #tpu.memory_space<hbm>> -> memref<1x96x128xi32, #tpu.memory_space<hbm>>
      %dma_wait3A_66 = tpu.memref_squeeze %dma_wait3A_65 : memref<1x96x128xi32, #tpu.memory_space<hbm>> -> memref<96x128xi32, #tpu.memory_space<hbm>>
      tpu.wait_dma2 semaphore(%run_scoped3A : memref<!tpu.dma_semaphore, #tpu.memory_space<semaphore_mem>>) src(%dma_wait3A_66 : memref<96x128xi32, #tpu.memory_space<hbm>>) dst(%arg7 : memref<96x128xi32, #tpu.memory_space<vmem>>)
      tpu.yield
    }) : () -> ()
    %eq3A = arith.constant 0 : i32
    %eq3A_26 = arith.cmpi eq, %arg0, %eq3A : i32
    %convert_element_type3A = arith.extui %eq3A_26 : i1 to i32
    %cond3A = arith.constant 0 : i32
    %cond3A_27 = arith.cmpi ne, %convert_element_type3A, %cond3A : i32
    scf.if %cond3A_27 {
      %scan3A_53 = arith.constant 0 : i32
      %scan3A_54 = arith.constant 0 : i32
      %scan3A_55 = arith.constant 96 : i32
      %scan3A_56 = arith.addi %scan3A_54, %scan3A_55 : i32
      %scan3A_57 = arith.constant 1 : i32
      scf.for %scan3A_59 = %scan3A_54 to %scan3A_56 step %scan3A_57  : i32 {
        %dma_start3A = arith.constant 0 : i32
        %dma_start3A_60 = tpu.memref_slice %arg6[%scan3A_59, %dma_start3A] : memref<96x128xi32, #tpu.memory_space<vmem>> -> memref<1x128xi32, #tpu.memory_space<vmem>>
        %dma_start3A_61 = tpu.memref_squeeze %dma_start3A_60 : memref<1x128xi32, #tpu.memory_space<vmem>> -> memref<128xi32, #tpu.memory_space<vmem>>
        %dma_start3A_62 = arith.constant 0 : i32
        %dma_start3A_63 = arith.constant 0 : i32
        %dma_start3A_64 = tpu.memref_slice %arg2[%dma_start3A_62, %dma_start3A_63] : memref<10240x128xf32, #tpu.memory_space<hbm>> -> memref<10240x128xf32, #tpu.memory_space<hbm>>
        tpu.enqueue_indirect_dma source(%dma_start3A_64 : memref<10240x128xf32, #tpu.memory_space<hbm>>) target(%arg8 : memref<128x128xf32, #tpu.memory_space<vmem>>) offsets(%dma_start3A_61 : memref<128xi32, #tpu.memory_space<vmem>>) semaphore(%arg10 : memref<!tpu.dma_semaphore, #tpu.memory_space<semaphore_mem>>)
        %dma_wait3A = arith.constant 0 : i32
        %dma_wait3A_65 = tpu.memref_slice %arg6[%scan3A_59, %dma_wait3A] : memref<96x128xi32, #tpu.memory_space<vmem>> -> memref<1x128xi32, #tpu.memory_space<vmem>>
        %dma_wait3A_66 = tpu.memref_squeeze %dma_wait3A_65 : memref<1x128xi32, #tpu.memory_space<vmem>> -> memref<128xi32, #tpu.memory_space<vmem>>
        %dma_wait3A_67 = arith.constant 0 : i32
        %dma_wait3A_68 = arith.constant 0 : i32
        %dma_wait3A_69 = tpu.memref_slice %arg2[%dma_wait3A_67, %dma_wait3A_68] : memref<10240x128xf32, #tpu.memory_space<hbm>> -> memref<10240x128xf32, #tpu.memory_space<hbm>>
        tpu.wait_indirect_dma semaphore(%arg10 : memref<!tpu.dma_semaphore, #tpu.memory_space<semaphore_mem>>) src(%dma_wait3A_69 : memref<10240x128xf32, #tpu.memory_space<hbm>>) dst(%arg8 : memref<128x128xf32, #tpu.memory_space<vmem>>)
        "tpu.region"() ({
          %run_scoped3A = tpu.sem_alloc : memref<!tpu.dma_semaphore, #tpu.memory_space<semaphore_mem>>
          %dma_start3A_70 = arith.constant 0 : i32
          %dma_start3A_71 = tpu.memref_slice %arg7[%scan3A_59, %dma_start3A_70] : memref<96x128xi32, #tpu.memory_space<vmem>> -> memref<1x128xi32, #tpu.memory_space<vmem>>
          %dma_start3A_72 = tpu.memref_squeeze %dma_start3A_71 : memref<1x128xi32, #tpu.memory_space<vmem>> -> memref<128xi32, #tpu.memory_space<vmem>>
          %dma_start3A_73 = arith.constant 0 : i32
          %dma_start3A_74 = arith.constant 0 : i32
          %dma_start3A_75 = tpu.memref_slice %arg9[%dma_start3A_73, %dma_start3A_74] : memref<10240x128xf32, #tpu.memory_space<vmem_shared>> -> memref<10240x128xf32, #tpu.memory_space<vmem_shared>>
          tpu.enqueue_indirect_dma source(%arg8 : memref<128x128xf32, #tpu.memory_space<vmem>>) target(%dma_start3A_75 : memref<10240x128xf32, #tpu.memory_space<vmem_shared>>) offsets(%dma_start3A_72 : memref<128xi32, #tpu.memory_space<vmem>>) semaphore(%run_scoped3A : memref<!tpu.dma_semaphore, #tpu.memory_space<semaphore_mem>>) {add = true}
          %dma_wait3A_76 = arith.constant 0 : i32
          %dma_wait3A_77 = tpu.memref_slice %arg7[%scan3A_59, %dma_wait3A_76] : memref<96x128xi32, #tpu.memory_space<vmem>> -> memref<1x128xi32, #tpu.memory_space<vmem>>
          %dma_wait3A_78 = tpu.memref_squeeze %dma_wait3A_77 : memref<1x128xi32, #tpu.memory_space<vmem>> -> memref<128xi32, #tpu.memory_space<vmem>>
          %dma_wait3A_79 = arith.constant 0 : i32
          %dma_wait3A_80 = arith.constant 0 : i32
          %dma_wait3A_81 = tpu.memref_slice %arg9[%dma_wait3A_79, %dma_wait3A_80] : memref<10240x128xf32, #tpu.memory_space<vmem_shared>> -> memref<10240x128xf32, #tpu.memory_space<vmem_shared>>
          tpu.wait_indirect_dma semaphore(%run_scoped3A : memref<!tpu.dma_semaphore, #tpu.memory_space<semaphore_mem>>) src(%arg8 : memref<128x128xf32, #tpu.memory_space<vmem>>) dst(%dma_wait3A_81 : memref<10240x128xf32, #tpu.memory_space<vmem_shared>>)
          tpu.yield
        }) : () -> ()
      }
      %scan3A_58 = arith.constant 96 : i32
    } else {
    }
    %ne3A = arith.constant 0 : i32
    %ne3A_28 = arith.cmpi ne, %arg0, %ne3A : i32
    %convert_element_type3A_29 = arith.extui %ne3A_28 : i1 to i32
    %cond3A_30 = arith.constant 0 : i32
    %cond3A_31 = arith.cmpi ne, %convert_element_type3A_29, %cond3A_30 : i32
    scf.if %cond3A_31 {
      %scan3A_53 = arith.constant 0 : i32
      %scan3A_54 = arith.constant 0 : i32
      %scan3A_55 = arith.constant 64 : i32
      %scan3A_56 = arith.addi %scan3A_54, %scan3A_55 : i32
      %scan3A_57 = arith.constant 1 : i32
      scf.for %scan3A_59 = %scan3A_54 to %scan3A_56 step %scan3A_57  : i32 {
        %dma_start3A = arith.constant 0 : i32
        %dma_start3A_60 = tpu.memref_slice %arg6[%scan3A_59, %dma_start3A] : memref<96x128xi32, #tpu.memory_space<vmem>> -> memref<1x128xi32, #tpu.memory_space<vmem>>
        %dma_start3A_61 = tpu.memref_squeeze %dma_start3A_60 : memref<1x128xi32, #tpu.memory_space<vmem>> -> memref<128xi32, #tpu.memory_space<vmem>>
        %dma_start3A_62 = arith.constant 0 : i32
        %dma_start3A_63 = arith.constant 0 : i32
        %dma_start3A_64 = tpu.memref_slice %arg2[%dma_start3A_62, %dma_start3A_63] : memref<10240x128xf32, #tpu.memory_space<hbm>> -> memref<10240x128xf32, #tpu.memory_space<hbm>>
        tpu.enqueue_indirect_dma source(%dma_start3A_64 : memref<10240x128xf32, #tpu.memory_space<hbm>>) target(%arg8 : memref<128x128xf32, #tpu.memory_space<vmem>>) offsets(%dma_start3A_61 : memref<128xi32, #tpu.memory_space<vmem>>) semaphore(%arg10 : memref<!tpu.dma_semaphore, #tpu.memory_space<semaphore_mem>>)
        %dma_wait3A = arith.constant 0 : i32
        %dma_wait3A_65 = tpu.memref_slice %arg6[%scan3A_59, %dma_wait3A] : memref<96x128xi32, #tpu.memory_space<vmem>> -> memref<1x128xi32, #tpu.memory_space<vmem>>
        %dma_wait3A_66 = tpu.memref_squeeze %dma_wait3A_65 : memref<1x128xi32, #tpu.memory_space<vmem>> -> memref<128xi32, #tpu.memory_space<vmem>>
        %dma_wait3A_67 = arith.constant 0 : i32
        %dma_wait3A_68 = arith.constant 0 : i32
        %dma_wait3A_69 = tpu.memref_slice %arg2[%dma_wait3A_67, %dma_wait3A_68] : memref<10240x128xf32, #tpu.memory_space<hbm>> -> memref<10240x128xf32, #tpu.memory_space<hbm>>
        tpu.wait_indirect_dma semaphore(%arg10 : memref<!tpu.dma_semaphore, #tpu.memory_space<semaphore_mem>>) src(%dma_wait3A_69 : memref<10240x128xf32, #tpu.memory_space<hbm>>) dst(%arg8 : memref<128x128xf32, #tpu.memory_space<vmem>>)
        "tpu.region"() ({
          %run_scoped3A = tpu.sem_alloc : memref<!tpu.dma_semaphore, #tpu.memory_space<semaphore_mem>>
          %dma_start3A_70 = arith.constant 0 : i32
          %dma_start3A_71 = tpu.memref_slice %arg7[%scan3A_59, %dma_start3A_70] : memref<96x128xi32, #tpu.memory_space<vmem>> -> memref<1x128xi32, #tpu.memory_space<vmem>>
          %dma_start3A_72 = tpu.memref_squeeze %dma_start3A_71 : memref<1x128xi32, #tpu.memory_space<vmem>> -> memref<128xi32, #tpu.memory_space<vmem>>
          %dma_start3A_73 = arith.constant 0 : i32
          %dma_start3A_74 = arith.constant 0 : i32
          %dma_start3A_75 = tpu.memref_slice %arg9[%dma_start3A_73, %dma_start3A_74] : memref<10240x128xf32, #tpu.memory_space<vmem_shared>> -> memref<10240x128xf32, #tpu.memory_space<vmem_shared>>
          tpu.enqueue_indirect_dma source(%arg8 : memref<128x128xf32, #tpu.memory_space<vmem>>) target(%dma_start3A_75 : memref<10240x128xf32, #tpu.memory_space<vmem_shared>>) offsets(%dma_start3A_72 : memref<128xi32, #tpu.memory_space<vmem>>) semaphore(%run_scoped3A : memref<!tpu.dma_semaphore, #tpu.memory_space<semaphore_mem>>) {add = true}
          %dma_wait3A_76 = arith.constant 0 : i32
          %dma_wait3A_77 = tpu.memref_slice %arg7[%scan3A_59, %dma_wait3A_76] : memref<96x128xi32, #tpu.memory_space<vmem>> -> memref<1x128xi32, #tpu.memory_space<vmem>>
          %dma_wait3A_78 = tpu.memref_squeeze %dma_wait3A_77 : memref<1x128xi32, #tpu.memory_space<vmem>> -> memref<128xi32, #tpu.memory_space<vmem>>
          %dma_wait3A_79 = arith.constant 0 : i32
          %dma_wait3A_80 = arith.constant 0 : i32
          %dma_wait3A_81 = tpu.memref_slice %arg9[%dma_wait3A_79, %dma_wait3A_80] : memref<10240x128xf32, #tpu.memory_space<vmem_shared>> -> memref<10240x128xf32, #tpu.memory_space<vmem_shared>>
          tpu.wait_indirect_dma semaphore(%run_scoped3A : memref<!tpu.dma_semaphore, #tpu.memory_space<semaphore_mem>>) src(%arg8 : memref<128x128xf32, #tpu.memory_space<vmem>>) dst(%dma_wait3A_81 : memref<10240x128xf32, #tpu.memory_space<vmem_shared>>)
          tpu.yield
        }) : () -> ()
      }
      %scan3A_58 = arith.constant 64 : i32
    } else {
    }
    %barrier3A_32 = arith.constant 0 : index
    tpu.barrier barrier_id(%barrier3A_32)
    %mul3A_33 = arith.constant 640 : i32
    %mul3A_34 = arith.muli %arg1, %mul3A_33 : i32
    %add3A_35 = arith.constant 0 : i32
    %add3A_36 = arith.addi %mul3A_34, %add3A_35 : i32
    "tpu.region"() ({
      %run_scoped3A = tpu.sem_alloc : memref<!tpu.dma_semaphore, #tpu.memory_space<semaphore_mem>>
      %dma_start3A = arith.constant 0 : i32
      %dma_start3A_53 = tpu.memref_slice %arg5[%arg0, %add3A_36, %dma_start3A] : memref<2x10240x128xf32, #tpu.memory_space<hbm>> -> memref<1x128x128xf32, #tpu.memory_space<hbm>>
      %dma_start3A_54 = tpu.memref_squeeze %dma_start3A_53 : memref<1x128x128xf32, #tpu.memory_space<hbm>> -> memref<128x128xf32, #tpu.memory_space<hbm>>
      %dma_start3A_55 = arith.constant 0 : i32
      %dma_start3A_56 = tpu.memref_slice %arg9[%add3A_36, %dma_start3A_55] : memref<10240x128xf32, #tpu.memory_space<vmem_shared>> -> memref<128x128xf32, #tpu.memory_space<vmem_shared>>
      tpu.enqueue_dma source(%dma_start3A_56 : memref<128x128xf32, #tpu.memory_space<vmem_shared>>) target(%dma_start3A_54 : memref<128x128xf32, #tpu.memory_space<hbm>>) target_semaphore(%run_scoped3A : memref<!tpu.dma_semaphore, #tpu.memory_space<semaphore_mem>>)
      %dma_wait3A = arith.constant 0 : i32
      %dma_wait3A_57 = tpu.memref_slice %arg5[%arg0, %add3A_36, %dma_wait3A] : memref<2x10240x128xf32, #tpu.memory_space<hbm>> -> memref<1x128x128xf32, #tpu.memory_space<hbm>>
      %dma_wait3A_58 = tpu.memref_squeeze %dma_wait3A_57 : memref<1x128x128xf32, #tpu.memory_space<hbm>> -> memref<128x128xf32, #tpu.memory_space<hbm>>
      %dma_wait3A_59 = arith.constant 0 : i32
      %dma_wait3A_60 = tpu.memref_slice %arg9[%add3A_36, %dma_wait3A_59] : memref<10240x128xf32, #tpu.memory_space<vmem_shared>> -> memref<128x128xf32, #tpu.memory_space<vmem_shared>>
      tpu.wait_dma2 semaphore(%run_scoped3A : memref<!tpu.dma_semaphore, #tpu.memory_space<semaphore_mem>>) src(%dma_wait3A_60 : memref<128x128xf32, #tpu.memory_space<vmem_shared>>) dst(%dma_wait3A_58 : memref<128x128xf32, #tpu.memory_space<hbm>>)
      tpu.yield
    }) : () -> ()
    %mul3A_37 = arith.constant 640 : i32
    %mul3A_38 = arith.muli %arg1, %mul3A_37 : i32
    %add3A_39 = arith.constant 128 : i32
    %add3A_40 = arith.addi %mul3A_38, %add3A_39 : i32
    "tpu.region"() ({
      %run_scoped3A = tpu.sem_alloc : memref<!tpu.dma_semaphore, #tpu.memory_space<semaphore_mem>>
      %dma_start3A = arith.constant 0 : i32
      %dma_start3A_53 = tpu.memref_slice %arg5[%arg0, %add3A_40, %dma_start3A] : memref<2x10240x128xf32, #tpu.memory_space<hbm>> -> memref<1x128x128xf32, #tpu.memory_space<hbm>>
      %dma_start3A_54 = tpu.memref_squeeze %dma_start3A_53 : memref<1x128x128xf32, #tpu.memory_space<hbm>> -> memref<128x128xf32, #tpu.memory_space<hbm>>
      %dma_start3A_55 = arith.constant 0 : i32
      %dma_start3A_56 = tpu.memref_slice %arg9[%add3A_40, %dma_start3A_55] : memref<10240x128xf32, #tpu.memory_space<vmem_shared>> -> memref<128x128xf32, #tpu.memory_space<vmem_shared>>
      tpu.enqueue_dma source(%dma_start3A_56 : memref<128x128xf32, #tpu.memory_space<vmem_shared>>) target(%dma_start3A_54 : memref<128x128xf32, #tpu.memory_space<hbm>>) target_semaphore(%run_scoped3A : memref<!tpu.dma_semaphore, #tpu.memory_space<semaphore_mem>>)
      %dma_wait3A = arith.constant 0 : i32
      %dma_wait3A_57 = tpu.memref_slice %arg5[%arg0, %add3A_40, %dma_wait3A] : memref<2x10240x128xf32, #tpu.memory_space<hbm>> -> memref<1x128x128xf32, #tpu.memory_space<hbm>>
      %dma_wait3A_58 = tpu.memref_squeeze %dma_wait3A_57 : memref<1x128x128xf32, #tpu.memory_space<hbm>> -> memref<128x128xf32, #tpu.memory_space<hbm>>
      %dma_wait3A_59 = arith.constant 0 : i32
      %dma_wait3A_60 = tpu.memref_slice %arg9[%add3A_40, %dma_wait3A_59] : memref<10240x128xf32, #tpu.memory_space<vmem_shared>> -> memref<128x128xf32, #tpu.memory_space<vmem_shared>>
      tpu.wait_dma2 semaphore(%run_scoped3A : memref<!tpu.dma_semaphore, #tpu.memory_space<semaphore_mem>>) src(%dma_wait3A_60 : memref<128x128xf32, #tpu.memory_space<vmem_shared>>) dst(%dma_wait3A_58 : memref<128x128xf32, #tpu.memory_space<hbm>>)
      tpu.yield
    }) : () -> ()
    %mul3A_41 = arith.constant 640 : i32
    %mul3A_42 = arith.muli %arg1, %mul3A_41 : i32
    %add3A_43 = arith.constant 256 : i32
    %add3A_44 = arith.addi %mul3A_42, %add3A_43 : i32
    "tpu.region"() ({
      %run_scoped3A = tpu.sem_alloc : memref<!tpu.dma_semaphore, #tpu.memory_space<semaphore_mem>>
      %dma_start3A = arith.constant 0 : i32
      %dma_start3A_53 = tpu.memref_slice %arg5[%arg0, %add3A_44, %dma_start3A] : memref<2x10240x128xf32, #tpu.memory_space<hbm>> -> memref<1x128x128xf32, #tpu.memory_space<hbm>>
      %dma_start3A_54 = tpu.memref_squeeze %dma_start3A_53 : memref<1x128x128xf32, #tpu.memory_space<hbm>> -> memref<128x128xf32, #tpu.memory_space<hbm>>
      %dma_start3A_55 = arith.constant 0 : i32
      %dma_start3A_56 = tpu.memref_slice %arg9[%add3A_44, %dma_start3A_55] : memref<10240x128xf32, #tpu.memory_space<vmem_shared>> -> memref<128x128xf32, #tpu.memory_space<vmem_shared>>
      tpu.enqueue_dma source(%dma_start3A_56 : memref<128x128xf32, #tpu.memory_space<vmem_shared>>) target(%dma_start3A_54 : memref<128x128xf32, #tpu.memory_space<hbm>>) target_semaphore(%run_scoped3A : memref<!tpu.dma_semaphore, #tpu.memory_space<semaphore_mem>>)
      %dma_wait3A = arith.constant 0 : i32
      %dma_wait3A_57 = tpu.memref_slice %arg5[%arg0, %add3A_44, %dma_wait3A] : memref<2x10240x128xf32, #tpu.memory_space<hbm>> -> memref<1x128x128xf32, #tpu.memory_space<hbm>>
      %dma_wait3A_58 = tpu.memref_squeeze %dma_wait3A_57 : memref<1x128x128xf32, #tpu.memory_space<hbm>> -> memref<128x128xf32, #tpu.memory_space<hbm>>
      %dma_wait3A_59 = arith.constant 0 : i32
      %dma_wait3A_60 = tpu.memref_slice %arg9[%add3A_44, %dma_wait3A_59] : memref<10240x128xf32, #tpu.memory_space<vmem_shared>> -> memref<128x128xf32, #tpu.memory_space<vmem_shared>>
      tpu.wait_dma2 semaphore(%run_scoped3A : memref<!tpu.dma_semaphore, #tpu.memory_space<semaphore_mem>>) src(%dma_wait3A_60 : memref<128x128xf32, #tpu.memory_space<vmem_shared>>) dst(%dma_wait3A_58 : memref<128x128xf32, #tpu.memory_space<hbm>>)
      tpu.yield
    }) : () -> ()
    %mul3A_45 = arith.constant 640 : i32
    %mul3A_46 = arith.muli %arg1, %mul3A_45 : i32
    %add3A_47 = arith.constant 384 : i32
    %add3A_48 = arith.addi %mul3A_46, %add3A_47 : i32
    "tpu.region"() ({
      %run_scoped3A = tpu.sem_alloc : memref<!tpu.dma_semaphore, #tpu.memory_space<semaphore_mem>>
      %dma_start3A = arith.constant 0 : i32
      %dma_start3A_53 = tpu.memref_slice %arg5[%arg0, %add3A_48, %dma_start3A] : memref<2x10240x128xf32, #tpu.memory_space<hbm>> -> memref<1x128x128xf32, #tpu.memory_space<hbm>>
      %dma_start3A_54 = tpu.memref_squeeze %dma_start3A_53 : memref<1x128x128xf32, #tpu.memory_space<hbm>> -> memref<128x128xf32, #tpu.memory_space<hbm>>
      %dma_start3A_55 = arith.constant 0 : i32
      %dma_start3A_56 = tpu.memref_slice %arg9[%add3A_48, %dma_start3A_55] : memref<10240x128xf32, #tpu.memory_space<vmem_shared>> -> memref<128x128xf32, #tpu.memory_space<vmem_shared>>
      tpu.enqueue_dma source(%dma_start3A_56 : memref<128x128xf32, #tpu.memory_space<vmem_shared>>) target(%dma_start3A_54 : memref<128x128xf32, #tpu.memory_space<hbm>>) target_semaphore(%run_scoped3A : memref<!tpu.dma_semaphore, #tpu.memory_space<semaphore_mem>>)
      %dma_wait3A = arith.constant 0 : i32
      %dma_wait3A_57 = tpu.memref_slice %arg5[%arg0, %add3A_48, %dma_wait3A] : memref<2x10240x128xf32, #tpu.memory_space<hbm>> -> memref<1x128x128xf32, #tpu.memory_space<hbm>>
      %dma_wait3A_58 = tpu.memref_squeeze %dma_wait3A_57 : memref<1x128x128xf32, #tpu.memory_space<hbm>> -> memref<128x128xf32, #tpu.memory_space<hbm>>
      %dma_wait3A_59 = arith.constant 0 : i32
      %dma_wait3A_60 = tpu.memref_slice %arg9[%add3A_48, %dma_wait3A_59] : memref<10240x128xf32, #tpu.memory_space<vmem_shared>> -> memref<128x128xf32, #tpu.memory_space<vmem_shared>>
      tpu.wait_dma2 semaphore(%run_scoped3A : memref<!tpu.dma_semaphore, #tpu.memory_space<semaphore_mem>>) src(%dma_wait3A_60 : memref<128x128xf32, #tpu.memory_space<vmem_shared>>) dst(%dma_wait3A_58 : memref<128x128xf32, #tpu.memory_space<hbm>>)
      tpu.yield
    }) : () -> ()
    %mul3A_49 = arith.constant 640 : i32
    %mul3A_50 = arith.muli %arg1, %mul3A_49 : i32
    %add3A_51 = arith.constant 512 : i32
    %add3A_52 = arith.addi %mul3A_50, %add3A_51 : i32
    "tpu.region"() ({
      %run_scoped3A = tpu.sem_alloc : memref<!tpu.dma_semaphore, #tpu.memory_space<semaphore_mem>>
      %dma_start3A = arith.constant 0 : i32
      %dma_start3A_53 = tpu.memref_slice %arg5[%arg0, %add3A_52, %dma_start3A] : memref<2x10240x128xf32, #tpu.memory_space<hbm>> -> memref<1x128x128xf32, #tpu.memory_space<hbm>>
      %dma_start3A_54 = tpu.memref_squeeze %dma_start3A_53 : memref<1x128x128xf32, #tpu.memory_space<hbm>> -> memref<128x128xf32, #tpu.memory_space<hbm>>
      %dma_start3A_55 = arith.constant 0 : i32
      %dma_start3A_56 = tpu.memref_slice %arg9[%add3A_52, %dma_start3A_55] : memref<10240x128xf32, #tpu.memory_space<vmem_shared>> -> memref<128x128xf32, #tpu.memory_space<vmem_shared>>
      tpu.enqueue_dma source(%dma_start3A_56 : memref<128x128xf32, #tpu.memory_space<vmem_shared>>) target(%dma_start3A_54 : memref<128x128xf32, #tpu.memory_space<hbm>>) target_semaphore(%run_scoped3A : memref<!tpu.dma_semaphore, #tpu.memory_space<semaphore_mem>>)
      %dma_wait3A = arith.constant 0 : i32
      %dma_wait3A_57 = tpu.memref_slice %arg5[%arg0, %add3A_52, %dma_wait3A] : memref<2x10240x128xf32, #tpu.memory_space<hbm>> -> memref<1x128x128xf32, #tpu.memory_space<hbm>>
      %dma_wait3A_58 = tpu.memref_squeeze %dma_wait3A_57 : memref<1x128x128xf32, #tpu.memory_space<hbm>> -> memref<128x128xf32, #tpu.memory_space<hbm>>
      %dma_wait3A_59 = arith.constant 0 : i32
      %dma_wait3A_60 = tpu.memref_slice %arg9[%add3A_52, %dma_wait3A_59] : memref<10240x128xf32, #tpu.memory_space<vmem_shared>> -> memref<128x128xf32, #tpu.memory_space<vmem_shared>>
      tpu.wait_dma2 semaphore(%run_scoped3A : memref<!tpu.dma_semaphore, #tpu.memory_space<semaphore_mem>>) src(%dma_wait3A_60 : memref<128x128xf32, #tpu.memory_space<vmem_shared>>) dst(%dma_wait3A_58 : memref<128x128xf32, #tpu.memory_space<hbm>>)
      tpu.yield
    }) : () -> ()
    return
  }
}

#map = affine_map<(d0, d1) -> (0, 0, 0)>
#map1 = affine_map<(d0, d1) -> (0, 0)>
module attributes {stable_mosaic.version = 14 : i64} {
  func.func @_deg_kernel(%arg0: i32, %arg1: i32, %arg2: memref<32x96x128xi32, #tpu.memory_space<hbm>>, %arg3: memref<2x10240xf32, #tpu.memory_space<hbm>>, %arg4: memref<96x128xi32, #tpu.memory_space<vmem>>, %arg5: memref<640xf32, #tpu.memory_space<vmem>>, %arg6: memref<128xf32, #tpu.memory_space<vmem>>, %arg7: memref<10240xf32, #tpu.memory_space<vmem_shared>>) attributes {dimension_semantics = [#tpu.dimension_semantics<core_parallel>, #tpu.dimension_semantics<subcore_parallel>], iteration_bounds = array<i64: 2, 16>, scalar_prefetch = 0 : i64, scratch_operands = 4 : i64, tpu.core_type = #tpu.core_type<sc_vector_subcore>, window_params = [{transform_indices = #map}, {transform_indices = #map1}]} {
    %mul3A = arith.constant 16 : i32
    %mul3A_0 = arith.muli %arg0, %mul3A : i32
    %add3A = arith.addi %mul3A_0, %arg1 : i32
    %scan3A = arith.constant 0 : i32
    %scan3A_1 = arith.constant 0 : i32
    %scan3A_2 = arith.constant 40 : i32
    %scan3A_3 = arith.addi %scan3A_1, %scan3A_2 : i32
    %scan3A_4 = arith.constant 1 : i32
    scf.for %scan3A_65 = %scan3A_1 to %scan3A_3 step %scan3A_4  : i32 {
      %broadcast_in_dim3A_66 = arith.constant 0.000000e+00 : f32
      %broadcast_in_dim3A_67 = vector.broadcast %broadcast_in_dim3A_66 : f32 to vector<16xf32>
      %mul3A_68 = arith.constant 16 : i32
      %mul3A_69 = arith.muli %scan3A_65, %mul3A_68 : i32
      %swap3A_70 = arith.index_cast %mul3A_69 : i32 to index
      %swap3A_71 = tpu.vector_load %arg5[%swap3A_70] {strides = array<i32>} : memref<640xf32, #tpu.memory_space<vmem>>, vector<16xf32>,
      %swap3A_72 = vector.shape_cast %swap3A_71 : vector<16xf32> to vector<16xf32>
      %swap3A_73 = vector.shape_cast %broadcast_in_dim3A_67 : vector<16xf32> to vector<16xf32>
      tpu.vector_store %arg5[%swap3A_70], %swap3A_73 {strides = array<i32>} : memref<640xf32, #tpu.memory_space<vmem>>, vector<16xf32>,
    }
    %scan3A_5 = arith.constant 40 : i32
    %broadcast_in_dim3A = arith.constant 1.000000e+00 : f32
    %broadcast_in_dim3A_6 = vector.broadcast %broadcast_in_dim3A : f32 to vector<16xf32>
    %swap3A = arith.constant 0 : index
    %swap3A_7 = tpu.vector_load %arg6[%swap3A] {strides = array<i32>} : memref<128xf32, #tpu.memory_space<vmem>>, vector<16xf32>,
    %swap3A_8 = vector.shape_cast %swap3A_7 : vector<16xf32> to vector<16xf32>
    %swap3A_9 = vector.shape_cast %broadcast_in_dim3A_6 : vector<16xf32> to vector<16xf32>
    tpu.vector_store %arg6[%swap3A], %swap3A_9 {strides = array<i32>} : memref<128xf32, #tpu.memory_space<vmem>>, vector<16xf32>,
    %broadcast_in_dim3A_10 = arith.constant 1.000000e+00 : f32
    %broadcast_in_dim3A_11 = vector.broadcast %broadcast_in_dim3A_10 : f32 to vector<16xf32>
    %swap3A_12 = arith.constant 16 : index
    %swap3A_13 = tpu.vector_load %arg6[%swap3A_12] {strides = array<i32>} : memref<128xf32, #tpu.memory_space<vmem>>, vector<16xf32>,
    %swap3A_14 = vector.shape_cast %swap3A_13 : vector<16xf32> to vector<16xf32>
    %swap3A_15 = vector.shape_cast %broadcast_in_dim3A_11 : vector<16xf32> to vector<16xf32>
    tpu.vector_store %arg6[%swap3A_12], %swap3A_15 {strides = array<i32>} : memref<128xf32, #tpu.memory_space<vmem>>, vector<16xf32>,
    %broadcast_in_dim3A_16 = arith.constant 1.000000e+00 : f32
    %broadcast_in_dim3A_17 = vector.broadcast %broadcast_in_dim3A_16 : f32 to vector<16xf32>
    %swap3A_18 = arith.constant 32 : index
    %swap3A_19 = tpu.vector_load %arg6[%swap3A_18] {strides = array<i32>} : memref<128xf32, #tpu.memory_space<vmem>>, vector<16xf32>,
    %swap3A_20 = vector.shape_cast %swap3A_19 : vector<16xf32> to vector<16xf32>
    %swap3A_21 = vector.shape_cast %broadcast_in_dim3A_17 : vector<16xf32> to vector<16xf32>
    tpu.vector_store %arg6[%swap3A_18], %swap3A_21 {strides = array<i32>} : memref<128xf32, #tpu.memory_space<vmem>>, vector<16xf32>,
    %broadcast_in_dim3A_22 = arith.constant 1.000000e+00 : f32
    %broadcast_in_dim3A_23 = vector.broadcast %broadcast_in_dim3A_22 : f32 to vector<16xf32>
    %swap3A_24 = arith.constant 48 : index
    %swap3A_25 = tpu.vector_load %arg6[%swap3A_24] {strides = array<i32>} : memref<128xf32, #tpu.memory_space<vmem>>, vector<16xf32>,
    %swap3A_26 = vector.shape_cast %swap3A_25 : vector<16xf32> to vector<16xf32>
    %swap3A_27 = vector.shape_cast %broadcast_in_dim3A_23 : vector<16xf32> to vector<16xf32>
    tpu.vector_store %arg6[%swap3A_24], %swap3A_27 {strides = array<i32>} : memref<128xf32, #tpu.memory_space<vmem>>, vector<16xf32>,
    %broadcast_in_dim3A_28 = arith.constant 1.000000e+00 : f32
    %broadcast_in_dim3A_29 = vector.broadcast %broadcast_in_dim3A_28 : f32 to vector<16xf32>
    %swap3A_30 = arith.constant 64 : index
    %swap3A_31 = tpu.vector_load %arg6[%swap3A_30] {strides = array<i32>} : memref<128xf32, #tpu.memory_space<vmem>>, vector<16xf32>,
    %swap3A_32 = vector.shape_cast %swap3A_31 : vector<16xf32> to vector<16xf32>
    %swap3A_33 = vector.shape_cast %broadcast_in_dim3A_29 : vector<16xf32> to vector<16xf32>
    tpu.vector_store %arg6[%swap3A_30], %swap3A_33 {strides = array<i32>} : memref<128xf32, #tpu.memory_space<vmem>>, vector<16xf32>,
    %broadcast_in_dim3A_34 = arith.constant 1.000000e+00 : f32
    %broadcast_in_dim3A_35 = vector.broadcast %broadcast_in_dim3A_34 : f32 to vector<16xf32>
    %swap3A_36 = arith.constant 80 : index
    %swap3A_37 = tpu.vector_load %arg6[%swap3A_36] {strides = array<i32>} : memref<128xf32, #tpu.memory_space<vmem>>, vector<16xf32>,
    %swap3A_38 = vector.shape_cast %swap3A_37 : vector<16xf32> to vector<16xf32>
    %swap3A_39 = vector.shape_cast %broadcast_in_dim3A_35 : vector<16xf32> to vector<16xf32>
    tpu.vector_store %arg6[%swap3A_36], %swap3A_39 {strides = array<i32>} : memref<128xf32, #tpu.memory_space<vmem>>, vector<16xf32>,
    %broadcast_in_dim3A_40 = arith.constant 1.000000e+00 : f32
    %broadcast_in_dim3A_41 = vector.broadcast %broadcast_in_dim3A_40 : f32 to vector<16xf32>
    %swap3A_42 = arith.constant 96 : index
    %swap3A_43 = tpu.vector_load %arg6[%swap3A_42] {strides = array<i32>} : memref<128xf32, #tpu.memory_space<vmem>>, vector<16xf32>,
    %swap3A_44 = vector.shape_cast %swap3A_43 : vector<16xf32> to vector<16xf32>
    %swap3A_45 = vector.shape_cast %broadcast_in_dim3A_41 : vector<16xf32> to vector<16xf32>
    tpu.vector_store %arg6[%swap3A_42], %swap3A_45 {strides = array<i32>} : memref<128xf32, #tpu.memory_space<vmem>>, vector<16xf32>,
    %broadcast_in_dim3A_46 = arith.constant 1.000000e+00 : f32
    %broadcast_in_dim3A_47 = vector.broadcast %broadcast_in_dim3A_46 : f32 to vector<16xf32>
    %swap3A_48 = arith.constant 112 : index
    %swap3A_49 = tpu.vector_load %arg6[%swap3A_48] {strides = array<i32>} : memref<128xf32, #tpu.memory_space<vmem>>, vector<16xf32>,
    %swap3A_50 = vector.shape_cast %swap3A_49 : vector<16xf32> to vector<16xf32>
    %swap3A_51 = vector.shape_cast %broadcast_in_dim3A_47 : vector<16xf32> to vector<16xf32>
    tpu.vector_store %arg6[%swap3A_48], %swap3A_51 {strides = array<i32>} : memref<128xf32, #tpu.memory_space<vmem>>, vector<16xf32>,
    %mul3A_52 = arith.constant 640 : i32
    %mul3A_53 = arith.muli %arg1, %mul3A_52 : i32
    "tpu.region"() ({
      %run_scoped3A = tpu.sem_alloc : memref<!tpu.dma_semaphore, #tpu.memory_space<semaphore_mem>>
      %dma_start3A = tpu.memref_slice %arg7[%mul3A_53] : memref<10240xf32, #tpu.memory_space<vmem_shared>> -> memref<640xf32, #tpu.memory_space<vmem_shared>>
      %dma_start3A_65 = tpu.memref_slice %arg7[%mul3A_53] : memref<10240xf32, #tpu.memory_space<vmem_shared>> -> memref<640xf32, #tpu.memory_space<vmem_shared>>
      tpu.enqueue_dma source(%arg5 : memref<640xf32, #tpu.memory_space<vmem>>) target(%dma_start3A_65 : memref<640xf32, #tpu.memory_space<vmem_shared>>) target_semaphore(%run_scoped3A : memref<!tpu.dma_semaphore, #tpu.memory_space<semaphore_mem>>)
      %dma_wait3A = tpu.memref_slice %arg7[%mul3A_53] : memref<10240xf32, #tpu.memory_space<vmem_shared>> -> memref<640xf32, #tpu.memory_space<vmem_shared>>
      %dma_wait3A_66 = tpu.memref_slice %arg7[%mul3A_53] : memref<10240xf32, #tpu.memory_space<vmem_shared>> -> memref<640xf32, #tpu.memory_space<vmem_shared>>
      tpu.wait_dma2 semaphore(%run_scoped3A : memref<!tpu.dma_semaphore, #tpu.memory_space<semaphore_mem>>) src(%arg5 : memref<640xf32, #tpu.memory_space<vmem>>) dst(%dma_wait3A_66 : memref<640xf32, #tpu.memory_space<vmem_shared>>)
      tpu.yield
    }) : () -> ()
    %barrier3A = arith.constant 0 : index
    tpu.barrier barrier_id(%barrier3A)
    "tpu.region"() ({
      %run_scoped3A = tpu.sem_alloc : memref<!tpu.dma_semaphore, #tpu.memory_space<semaphore_mem>>
      %dma_start3A = arith.constant 0 : i32
      %dma_start3A_65 = arith.constant 0 : i32
      %dma_start3A_66 = tpu.memref_slice %arg2[%add3A, %dma_start3A, %dma_start3A_65] : memref<32x96x128xi32, #tpu.memory_space<hbm>> -> memref<1x96x128xi32, #tpu.memory_space<hbm>>
      %dma_start3A_67 = tpu.memref_squeeze %dma_start3A_66 : memref<1x96x128xi32, #tpu.memory_space<hbm>> -> memref<96x128xi32, #tpu.memory_space<hbm>>
      %dma_start3A_68 = arith.constant 0 : i32
      %dma_start3A_69 = arith.constant 0 : i32
      %dma_start3A_70 = tpu.memref_slice %arg2[%add3A, %dma_start3A_68, %dma_start3A_69] : memref<32x96x128xi32, #tpu.memory_space<hbm>> -> memref<1x96x128xi32, #tpu.memory_space<hbm>>
      %dma_start3A_71 = tpu.memref_squeeze %dma_start3A_70 : memref<1x96x128xi32, #tpu.memory_space<hbm>> -> memref<96x128xi32, #tpu.memory_space<hbm>>
      tpu.enqueue_dma source(%dma_start3A_71 : memref<96x128xi32, #tpu.memory_space<hbm>>) target(%arg4 : memref<96x128xi32, #tpu.memory_space<vmem>>) target_semaphore(%run_scoped3A : memref<!tpu.dma_semaphore, #tpu.memory_space<semaphore_mem>>)
      %dma_wait3A = arith.constant 0 : i32
      %dma_wait3A_72 = arith.constant 0 : i32
      %dma_wait3A_73 = tpu.memref_slice %arg2[%add3A, %dma_wait3A, %dma_wait3A_72] : memref<32x96x128xi32, #tpu.memory_space<hbm>> -> memref<1x96x128xi32, #tpu.memory_space<hbm>>
      %dma_wait3A_74 = tpu.memref_squeeze %dma_wait3A_73 : memref<1x96x128xi32, #tpu.memory_space<hbm>> -> memref<96x128xi32, #tpu.memory_space<hbm>>
      %dma_wait3A_75 = arith.constant 0 : i32
      %dma_wait3A_76 = arith.constant 0 : i32
      %dma_wait3A_77 = tpu.memref_slice %arg2[%add3A, %dma_wait3A_75, %dma_wait3A_76] : memref<32x96x128xi32, #tpu.memory_space<hbm>> -> memref<1x96x128xi32, #tpu.memory_space<hbm>>
      %dma_wait3A_78 = tpu.memref_squeeze %dma_wait3A_77 : memref<1x96x128xi32, #tpu.memory_space<hbm>> -> memref<96x128xi32, #tpu.memory_space<hbm>>
      tpu.wait_dma2 semaphore(%run_scoped3A : memref<!tpu.dma_semaphore, #tpu.memory_space<semaphore_mem>>) src(%dma_wait3A_78 : memref<96x128xi32, #tpu.memory_space<hbm>>) dst(%arg4 : memref<96x128xi32, #tpu.memory_space<vmem>>)
      tpu.yield
    }) : () -> ()
    %scan3A_54 = arith.constant 0 : i32
    %scan3A_55 = arith.constant 0 : i32
    %scan3A_56 = arith.constant 96 : i32
    %scan3A_57 = arith.addi %scan3A_55, %scan3A_56 : i32
    %scan3A_58 = arith.constant 1 : i32
    scf.for %scan3A_65 = %scan3A_55 to %scan3A_57 step %scan3A_58  : i32 {
      "tpu.region"() ({
        %run_scoped3A = tpu.sem_alloc : memref<!tpu.dma_semaphore, #tpu.memory_space<semaphore_mem>>
        %dma_start3A = arith.constant 0 : i32
        %dma_start3A_66 = tpu.memref_slice %arg4[%scan3A_65, %dma_start3A] : memref<96x128xi32, #tpu.memory_space<vmem>> -> memref<1x128xi32, #tpu.memory_space<vmem>>
        %dma_start3A_67 = tpu.memref_squeeze %dma_start3A_66 : memref<1x128xi32, #tpu.memory_space<vmem>> -> memref<128xi32, #tpu.memory_space<vmem>>
        %dma_start3A_68 = arith.constant 0 : i32
        %dma_start3A_69 = tpu.memref_slice %arg7[%dma_start3A_68] : memref<10240xf32, #tpu.memory_space<vmem_shared>> -> memref<10240xf32, #tpu.memory_space<vmem_shared>>
        tpu.enqueue_indirect_dma source(%arg6 : memref<128xf32, #tpu.memory_space<vmem>>) target(%dma_start3A_69 : memref<10240xf32, #tpu.memory_space<vmem_shared>>) offsets(%dma_start3A_67 : memref<128xi32, #tpu.memory_space<vmem>>) semaphore(%run_scoped3A : memref<!tpu.dma_semaphore, #tpu.memory_space<semaphore_mem>>) {add = true}
        %dma_wait3A = arith.constant 0 : i32
        %dma_wait3A_70 = tpu.memref_slice %arg4[%scan3A_65, %dma_wait3A] : memref<96x128xi32, #tpu.memory_space<vmem>> -> memref<1x128xi32, #tpu.memory_space<vmem>>
        %dma_wait3A_71 = tpu.memref_squeeze %dma_wait3A_70 : memref<1x128xi32, #tpu.memory_space<vmem>> -> memref<128xi32, #tpu.memory_space<vmem>>
        %dma_wait3A_72 = arith.constant 0 : i32
        %dma_wait3A_73 = tpu.memref_slice %arg7[%dma_wait3A_72] : memref<10240xf32, #tpu.memory_space<vmem_shared>> -> memref<10240xf32, #tpu.memory_space<vmem_shared>>
        tpu.wait_indirect_dma semaphore(%run_scoped3A : memref<!tpu.dma_semaphore, #tpu.memory_space<semaphore_mem>>) src(%arg6 : memref<128xf32, #tpu.memory_space<vmem>>) dst(%dma_wait3A_73 : memref<10240xf32, #tpu.memory_space<vmem_shared>>)
        tpu.yield
      }) : () -> ()
    }
    %scan3A_59 = arith.constant 96 : i32
    %barrier3A_60 = arith.constant 0 : index
    tpu.barrier barrier_id(%barrier3A_60)
    %mul3A_61 = arith.constant 640 : i32
    %mul3A_62 = arith.muli %arg1, %mul3A_61 : i32
    %mul3A_63 = arith.constant 640 : i32
    %mul3A_64 = arith.muli %arg1, %mul3A_63 : i32
    "tpu.region"() ({
      %run_scoped3A = tpu.sem_alloc : memref<!tpu.dma_semaphore, #tpu.memory_space<semaphore_mem>>
      %dma_start3A = tpu.memref_slice %arg3[%arg0, %mul3A_64] : memref<2x10240xf32, #tpu.memory_space<hbm>> -> memref<1x640xf32, #tpu.memory_space<hbm>>
      %dma_start3A_65 = tpu.memref_squeeze %dma_start3A : memref<1x640xf32, #tpu.memory_space<hbm>> -> memref<640xf32, #tpu.memory_space<hbm>>
      %dma_start3A_66 = tpu.memref_slice %arg7[%mul3A_62] : memref<10240xf32, #tpu.memory_space<vmem_shared>> -> memref<640xf32, #tpu.memory_space<vmem_shared>>
      tpu.enqueue_dma source(%dma_start3A_66 : memref<640xf32, #tpu.memory_space<vmem_shared>>) target(%dma_start3A_65 : memref<640xf32, #tpu.memory_space<hbm>>) target_semaphore(%run_scoped3A : memref<!tpu.dma_semaphore, #tpu.memory_space<semaphore_mem>>)
      %dma_wait3A = tpu.memref_slice %arg3[%arg0, %mul3A_64] : memref<2x10240xf32, #tpu.memory_space<hbm>> -> memref<1x640xf32, #tpu.memory_space<hbm>>
      %dma_wait3A_67 = tpu.memref_squeeze %dma_wait3A : memref<1x640xf32, #tpu.memory_space<hbm>> -> memref<640xf32, #tpu.memory_space<hbm>>
      %dma_wait3A_68 = tpu.memref_slice %arg7[%mul3A_62] : memref<10240xf32, #tpu.memory_space<vmem_shared>> -> memref<640xf32, #tpu.memory_space<vmem_shared>>
      tpu.wait_dma2 semaphore(%run_scoped3A : memref<!tpu.dma_semaphore, #tpu.memory_space<semaphore_mem>>) src(%dma_wait3A_68 : memref<640xf32, #tpu.memory_space<vmem_shared>>) dst(%dma_wait3A_67 : memref<640xf32, #tpu.memory_space<hbm>>)
      tpu.yield
    }) : () -> ()
    return
  }
}

#map = affine_map<(d0, d1) -> (0, 0)>
#map1 = affine_map<(d0, d1) -> (0, 0, 0)>
module attributes {stable_mosaic.version = 14 : i64} {
  func.func @_spmm_kernel(%arg0: i32, %arg1: i32, %arg2: memref<10240x128xf32, #tpu.memory_space<hbm>>, %arg3: memref<32x96x128xi32, #tpu.memory_space<hbm>>, %arg4: memref<32x96x128xi32, #tpu.memory_space<hbm>>, %arg5: memref<2x10240x128xf32, #tpu.memory_space<hbm>>, %arg6: memref<96x128xi32, #tpu.memory_space<vmem>>, %arg7: memref<96x128xi32, #tpu.memory_space<vmem>>, %arg8: memref<128x128xf32, #tpu.memory_space<vmem>>, %arg9: memref<10240x128xf32, #tpu.memory_space<vmem_shared>>, %arg10: memref<!tpu.dma_semaphore, #tpu.memory_space<semaphore_mem>>) attributes {dimension_semantics = [#tpu.dimension_semantics<core_parallel>, #tpu.dimension_semantics<subcore_parallel>], iteration_bounds = array<i64: 2, 16>, scalar_prefetch = 0 : i64, scratch_operands = 5 : i64, tpu.core_type = #tpu.core_type<sc_vector_subcore>, window_params = [{transform_indices = #map}, {transform_indices = #map1}, {transform_indices = #map1}, {transform_indices = #map1}]} {
    %mul3A = arith.constant 16 : i32
    %mul3A_0 = arith.muli %arg0, %mul3A : i32
    %add3A = arith.addi %mul3A_0, %arg1 : i32
    %scan3A = arith.constant 0 : i32
    %scan3A_1 = arith.constant 0 : i32
    %scan3A_2 = arith.constant 1024 : i32
    %scan3A_3 = arith.addi %scan3A_1, %scan3A_2 : i32
    %scan3A_4 = arith.constant 1 : i32
    scf.for %scan3A_53 = %scan3A_1 to %scan3A_3 step %scan3A_4  : i32 {
      %jit3A = arith.constant 8 : i32
      %div3A = arith.divsi %scan3A_53, %jit3A : i32
      %sign3A = arith.constant 0 : i32
      %sign3A_54 = arith.cmpi sgt, %scan3A_53, %sign3A : i32
      %sign3A_55 = arith.extui %sign3A_54 : i1 to i32
      %sign3A_56 = arith.constant 0 : i32
      %sign3A_57 = arith.cmpi slt, %scan3A_53, %sign3A_56 : i32
      %sign3A_58 = arith.extui %sign3A_57 : i1 to i32
      %sign3A_59 = arith.subi %sign3A_55, %sign3A_58 : i32
      %sign3A_60 = arith.constant 0 : i32
      %sign3A_61 = arith.cmpi sgt, %jit3A, %sign3A_60 : i32
      %sign3A_62 = arith.extui %sign3A_61 : i1 to i32
      %sign3A_63 = arith.constant 0 : i32
      %sign3A_64 = arith.cmpi slt, %jit3A, %sign3A_63 : i32
      %sign3A_65 = arith.extui %sign3A_64 : i1 to i32
      %sign3A_66 = arith.subi %sign3A_62, %sign3A_65 : i32
      %ne3A_67 = arith.cmpi ne, %sign3A_59, %sign3A_66 : i32
      %rem3A = arith.remsi %scan3A_53, %jit3A : i32
      %ne3A_68 = arith.constant 0 : i32
      %ne3A_69 = arith.cmpi ne, %rem3A, %ne3A_68 : i32
      %and3A = arith.andi %ne3A_67, %ne3A_69 : i1
      %sub3A = arith.constant 1 : i32
      %sub3A_70 = arith.subi %div3A, %sub3A : i32
      %select_n3A = arith.select %and3A, %sub3A_70, %div3A : i32
      %mul3A_71 = arith.constant 8 : i32
      %mul3A_72 = arith.muli %select_n3A, %mul3A_71 : i32
      %sub3A_73 = arith.subi %scan3A_53, %mul3A_72 : i32
      %broadcast_in_dim3A = arith.constant 0.000000e+00 : f32
      %broadcast_in_dim3A_74 = vector.broadcast %broadcast_in_dim3A : f32 to vector<16xf32>
      %mul3A_75 = arith.constant 16 : i32
      %mul3A_76 = arith.muli %sub3A_73, %mul3A_75 : i32
      %swap3A = arith.index_cast %select_n3A : i32 to index
      %swap3A_77 = arith.index_cast %mul3A_76 : i32 to index
      %swap3A_78 = tpu.vector_load %arg8[%swap3A, %swap3A_77] {strides = array<i32>} : memref<128x128xf32, #tpu.memory_space<vmem>>, vector<1x16xf32>,
      %swap3A_79 = vector.shape_cast %swap3A_78 : vector<1x16xf32> to vector<16xf32>
      %swap3A_80 = vector.shape_cast %broadcast_in_dim3A_74 : vector<16xf32> to vector<1x16xf32>
      tpu.vector_store %arg8[%swap3A, %swap3A_77], %swap3A_80 {strides = array<i32>} : memref<128x128xf32, #tpu.memory_space<vmem>>, vector<1x16xf32>,
    }
    %scan3A_5 = arith.constant 1024 : i32
    %mul3A_6 = arith.constant 640 : i32
    %mul3A_7 = arith.muli %arg1, %mul3A_6 : i32
    %add3A_8 = arith.constant 0 : i32
    %add3A_9 = arith.addi %mul3A_7, %add3A_8 : i32
    "tpu.region"() ({
      %run_scoped3A = tpu.sem_alloc : memref<!tpu.dma_semaphore, #tpu.memory_space<semaphore_mem>>
      %dma_start3A = arith.constant 0 : i32
      %dma_start3A_53 = tpu.memref_slice %arg9[%add3A_9, %dma_start3A] : memref<10240x128xf32, #tpu.memory_space<vmem_shared>> -> memref<128x128xf32, #tpu.memory_space<vmem_shared>>
      %dma_start3A_54 = arith.constant 0 : i32
      %dma_start3A_55 = tpu.memref_slice %arg9[%add3A_9, %dma_start3A_54] : memref<10240x128xf32, #tpu.memory_space<vmem_shared>> -> memref<128x128xf32, #tpu.memory_space<vmem_shared>>
      tpu.enqueue_dma source(%arg8 : memref<128x128xf32, #tpu.memory_space<vmem>>) target(%dma_start3A_55 : memref<128x128xf32, #tpu.memory_space<vmem_shared>>) target_semaphore(%run_scoped3A : memref<!tpu.dma_semaphore, #tpu.memory_space<semaphore_mem>>)
      %dma_wait3A = arith.constant 0 : i32
      %dma_wait3A_56 = tpu.memref_slice %arg9[%add3A_9, %dma_wait3A] : memref<10240x128xf32, #tpu.memory_space<vmem_shared>> -> memref<128x128xf32, #tpu.memory_space<vmem_shared>>
      %dma_wait3A_57 = arith.constant 0 : i32
      %dma_wait3A_58 = tpu.memref_slice %arg9[%add3A_9, %dma_wait3A_57] : memref<10240x128xf32, #tpu.memory_space<vmem_shared>> -> memref<128x128xf32, #tpu.memory_space<vmem_shared>>
      tpu.wait_dma2 semaphore(%run_scoped3A : memref<!tpu.dma_semaphore, #tpu.memory_space<semaphore_mem>>) src(%arg8 : memref<128x128xf32, #tpu.memory_space<vmem>>) dst(%dma_wait3A_58 : memref<128x128xf32, #tpu.memory_space<vmem_shared>>)
      tpu.yield
    }) : () -> ()
    %mul3A_10 = arith.constant 640 : i32
    %mul3A_11 = arith.muli %arg1, %mul3A_10 : i32
    %add3A_12 = arith.constant 128 : i32
    %add3A_13 = arith.addi %mul3A_11, %add3A_12 : i32
    "tpu.region"() ({
      %run_scoped3A = tpu.sem_alloc : memref<!tpu.dma_semaphore, #tpu.memory_space<semaphore_mem>>
      %dma_start3A = arith.constant 0 : i32
      %dma_start3A_53 = tpu.memref_slice %arg9[%add3A_13, %dma_start3A] : memref<10240x128xf32, #tpu.memory_space<vmem_shared>> -> memref<128x128xf32, #tpu.memory_space<vmem_shared>>
      %dma_start3A_54 = arith.constant 0 : i32
      %dma_start3A_55 = tpu.memref_slice %arg9[%add3A_13, %dma_start3A_54] : memref<10240x128xf32, #tpu.memory_space<vmem_shared>> -> memref<128x128xf32, #tpu.memory_space<vmem_shared>>
      tpu.enqueue_dma source(%arg8 : memref<128x128xf32, #tpu.memory_space<vmem>>) target(%dma_start3A_55 : memref<128x128xf32, #tpu.memory_space<vmem_shared>>) target_semaphore(%run_scoped3A : memref<!tpu.dma_semaphore, #tpu.memory_space<semaphore_mem>>)
      %dma_wait3A = arith.constant 0 : i32
      %dma_wait3A_56 = tpu.memref_slice %arg9[%add3A_13, %dma_wait3A] : memref<10240x128xf32, #tpu.memory_space<vmem_shared>> -> memref<128x128xf32, #tpu.memory_space<vmem_shared>>
      %dma_wait3A_57 = arith.constant 0 : i32
      %dma_wait3A_58 = tpu.memref_slice %arg9[%add3A_13, %dma_wait3A_57] : memref<10240x128xf32, #tpu.memory_space<vmem_shared>> -> memref<128x128xf32, #tpu.memory_space<vmem_shared>>
      tpu.wait_dma2 semaphore(%run_scoped3A : memref<!tpu.dma_semaphore, #tpu.memory_space<semaphore_mem>>) src(%arg8 : memref<128x128xf32, #tpu.memory_space<vmem>>) dst(%dma_wait3A_58 : memref<128x128xf32, #tpu.memory_space<vmem_shared>>)
      tpu.yield
    }) : () -> ()
    %mul3A_14 = arith.constant 640 : i32
    %mul3A_15 = arith.muli %arg1, %mul3A_14 : i32
    %add3A_16 = arith.constant 256 : i32
    %add3A_17 = arith.addi %mul3A_15, %add3A_16 : i32
    "tpu.region"() ({
      %run_scoped3A = tpu.sem_alloc : memref<!tpu.dma_semaphore, #tpu.memory_space<semaphore_mem>>
      %dma_start3A = arith.constant 0 : i32
      %dma_start3A_53 = tpu.memref_slice %arg9[%add3A_17, %dma_start3A] : memref<10240x128xf32, #tpu.memory_space<vmem_shared>> -> memref<128x128xf32, #tpu.memory_space<vmem_shared>>
      %dma_start3A_54 = arith.constant 0 : i32
      %dma_start3A_55 = tpu.memref_slice %arg9[%add3A_17, %dma_start3A_54] : memref<10240x128xf32, #tpu.memory_space<vmem_shared>> -> memref<128x128xf32, #tpu.memory_space<vmem_shared>>
      tpu.enqueue_dma source(%arg8 : memref<128x128xf32, #tpu.memory_space<vmem>>) target(%dma_start3A_55 : memref<128x128xf32, #tpu.memory_space<vmem_shared>>) target_semaphore(%run_scoped3A : memref<!tpu.dma_semaphore, #tpu.memory_space<semaphore_mem>>)
      %dma_wait3A = arith.constant 0 : i32
      %dma_wait3A_56 = tpu.memref_slice %arg9[%add3A_17, %dma_wait3A] : memref<10240x128xf32, #tpu.memory_space<vmem_shared>> -> memref<128x128xf32, #tpu.memory_space<vmem_shared>>
      %dma_wait3A_57 = arith.constant 0 : i32
      %dma_wait3A_58 = tpu.memref_slice %arg9[%add3A_17, %dma_wait3A_57] : memref<10240x128xf32, #tpu.memory_space<vmem_shared>> -> memref<128x128xf32, #tpu.memory_space<vmem_shared>>
      tpu.wait_dma2 semaphore(%run_scoped3A : memref<!tpu.dma_semaphore, #tpu.memory_space<semaphore_mem>>) src(%arg8 : memref<128x128xf32, #tpu.memory_space<vmem>>) dst(%dma_wait3A_58 : memref<128x128xf32, #tpu.memory_space<vmem_shared>>)
      tpu.yield
    }) : () -> ()
    %mul3A_18 = arith.constant 640 : i32
    %mul3A_19 = arith.muli %arg1, %mul3A_18 : i32
    %add3A_20 = arith.constant 384 : i32
    %add3A_21 = arith.addi %mul3A_19, %add3A_20 : i32
    "tpu.region"() ({
      %run_scoped3A = tpu.sem_alloc : memref<!tpu.dma_semaphore, #tpu.memory_space<semaphore_mem>>
      %dma_start3A = arith.constant 0 : i32
      %dma_start3A_53 = tpu.memref_slice %arg9[%add3A_21, %dma_start3A] : memref<10240x128xf32, #tpu.memory_space<vmem_shared>> -> memref<128x128xf32, #tpu.memory_space<vmem_shared>>
      %dma_start3A_54 = arith.constant 0 : i32
      %dma_start3A_55 = tpu.memref_slice %arg9[%add3A_21, %dma_start3A_54] : memref<10240x128xf32, #tpu.memory_space<vmem_shared>> -> memref<128x128xf32, #tpu.memory_space<vmem_shared>>
      tpu.enqueue_dma source(%arg8 : memref<128x128xf32, #tpu.memory_space<vmem>>) target(%dma_start3A_55 : memref<128x128xf32, #tpu.memory_space<vmem_shared>>) target_semaphore(%run_scoped3A : memref<!tpu.dma_semaphore, #tpu.memory_space<semaphore_mem>>)
      %dma_wait3A = arith.constant 0 : i32
      %dma_wait3A_56 = tpu.memref_slice %arg9[%add3A_21, %dma_wait3A] : memref<10240x128xf32, #tpu.memory_space<vmem_shared>> -> memref<128x128xf32, #tpu.memory_space<vmem_shared>>
      %dma_wait3A_57 = arith.constant 0 : i32
      %dma_wait3A_58 = tpu.memref_slice %arg9[%add3A_21, %dma_wait3A_57] : memref<10240x128xf32, #tpu.memory_space<vmem_shared>> -> memref<128x128xf32, #tpu.memory_space<vmem_shared>>
      tpu.wait_dma2 semaphore(%run_scoped3A : memref<!tpu.dma_semaphore, #tpu.memory_space<semaphore_mem>>) src(%arg8 : memref<128x128xf32, #tpu.memory_space<vmem>>) dst(%dma_wait3A_58 : memref<128x128xf32, #tpu.memory_space<vmem_shared>>)
      tpu.yield
    }) : () -> ()
    %mul3A_22 = arith.constant 640 : i32
    %mul3A_23 = arith.muli %arg1, %mul3A_22 : i32
    %add3A_24 = arith.constant 512 : i32
    %add3A_25 = arith.addi %mul3A_23, %add3A_24 : i32
    "tpu.region"() ({
      %run_scoped3A = tpu.sem_alloc : memref<!tpu.dma_semaphore, #tpu.memory_space<semaphore_mem>>
      %dma_start3A = arith.constant 0 : i32
      %dma_start3A_53 = tpu.memref_slice %arg9[%add3A_25, %dma_start3A] : memref<10240x128xf32, #tpu.memory_space<vmem_shared>> -> memref<128x128xf32, #tpu.memory_space<vmem_shared>>
      %dma_start3A_54 = arith.constant 0 : i32
      %dma_start3A_55 = tpu.memref_slice %arg9[%add3A_25, %dma_start3A_54] : memref<10240x128xf32, #tpu.memory_space<vmem_shared>> -> memref<128x128xf32, #tpu.memory_space<vmem_shared>>
      tpu.enqueue_dma source(%arg8 : memref<128x128xf32, #tpu.memory_space<vmem>>) target(%dma_start3A_55 : memref<128x128xf32, #tpu.memory_space<vmem_shared>>) target_semaphore(%run_scoped3A : memref<!tpu.dma_semaphore, #tpu.memory_space<semaphore_mem>>)
      %dma_wait3A = arith.constant 0 : i32
      %dma_wait3A_56 = tpu.memref_slice %arg9[%add3A_25, %dma_wait3A] : memref<10240x128xf32, #tpu.memory_space<vmem_shared>> -> memref<128x128xf32, #tpu.memory_space<vmem_shared>>
      %dma_wait3A_57 = arith.constant 0 : i32
      %dma_wait3A_58 = tpu.memref_slice %arg9[%add3A_25, %dma_wait3A_57] : memref<10240x128xf32, #tpu.memory_space<vmem_shared>> -> memref<128x128xf32, #tpu.memory_space<vmem_shared>>
      tpu.wait_dma2 semaphore(%run_scoped3A : memref<!tpu.dma_semaphore, #tpu.memory_space<semaphore_mem>>) src(%arg8 : memref<128x128xf32, #tpu.memory_space<vmem>>) dst(%dma_wait3A_58 : memref<128x128xf32, #tpu.memory_space<vmem_shared>>)
      tpu.yield
    }) : () -> ()
    %barrier3A = arith.constant 0 : index
    tpu.barrier barrier_id(%barrier3A)
    "tpu.region"() ({
      %run_scoped3A = tpu.sem_alloc : memref<!tpu.dma_semaphore, #tpu.memory_space<semaphore_mem>>
      %dma_start3A = arith.constant 0 : i32
      %dma_start3A_53 = arith.constant 0 : i32
      %dma_start3A_54 = tpu.memref_slice %arg3[%add3A, %dma_start3A, %dma_start3A_53] : memref<32x96x128xi32, #tpu.memory_space<hbm>> -> memref<1x96x128xi32, #tpu.memory_space<hbm>>
      %dma_start3A_55 = tpu.memref_squeeze %dma_start3A_54 : memref<1x96x128xi32, #tpu.memory_space<hbm>> -> memref<96x128xi32, #tpu.memory_space<hbm>>
      %dma_start3A_56 = arith.constant 0 : i32
      %dma_start3A_57 = arith.constant 0 : i32
      %dma_start3A_58 = tpu.memref_slice %arg3[%add3A, %dma_start3A_56, %dma_start3A_57] : memref<32x96x128xi32, #tpu.memory_space<hbm>> -> memref<1x96x128xi32, #tpu.memory_space<hbm>>
      %dma_start3A_59 = tpu.memref_squeeze %dma_start3A_58 : memref<1x96x128xi32, #tpu.memory_space<hbm>> -> memref<96x128xi32, #tpu.memory_space<hbm>>
      tpu.enqueue_dma source(%dma_start3A_59 : memref<96x128xi32, #tpu.memory_space<hbm>>) target(%arg6 : memref<96x128xi32, #tpu.memory_space<vmem>>) target_semaphore(%run_scoped3A : memref<!tpu.dma_semaphore, #tpu.memory_space<semaphore_mem>>)
      %dma_wait3A = arith.constant 0 : i32
      %dma_wait3A_60 = arith.constant 0 : i32
      %dma_wait3A_61 = tpu.memref_slice %arg3[%add3A, %dma_wait3A, %dma_wait3A_60] : memref<32x96x128xi32, #tpu.memory_space<hbm>> -> memref<1x96x128xi32, #tpu.memory_space<hbm>>
      %dma_wait3A_62 = tpu.memref_squeeze %dma_wait3A_61 : memref<1x96x128xi32, #tpu.memory_space<hbm>> -> memref<96x128xi32, #tpu.memory_space<hbm>>
      %dma_wait3A_63 = arith.constant 0 : i32
      %dma_wait3A_64 = arith.constant 0 : i32
      %dma_wait3A_65 = tpu.memref_slice %arg3[%add3A, %dma_wait3A_63, %dma_wait3A_64] : memref<32x96x128xi32, #tpu.memory_space<hbm>> -> memref<1x96x128xi32, #tpu.memory_space<hbm>>
      %dma_wait3A_66 = tpu.memref_squeeze %dma_wait3A_65 : memref<1x96x128xi32, #tpu.memory_space<hbm>> -> memref<96x128xi32, #tpu.memory_space<hbm>>
      tpu.wait_dma2 semaphore(%run_scoped3A : memref<!tpu.dma_semaphore, #tpu.memory_space<semaphore_mem>>) src(%dma_wait3A_66 : memref<96x128xi32, #tpu.memory_space<hbm>>) dst(%arg6 : memref<96x128xi32, #tpu.memory_space<vmem>>)
      tpu.yield
    }) : () -> ()
    "tpu.region"() ({
      %run_scoped3A = tpu.sem_alloc : memref<!tpu.dma_semaphore, #tpu.memory_space<semaphore_mem>>
      %dma_start3A = arith.constant 0 : i32
      %dma_start3A_53 = arith.constant 0 : i32
      %dma_start3A_54 = tpu.memref_slice %arg4[%add3A, %dma_start3A, %dma_start3A_53] : memref<32x96x128xi32, #tpu.memory_space<hbm>> -> memref<1x96x128xi32, #tpu.memory_space<hbm>>
      %dma_start3A_55 = tpu.memref_squeeze %dma_start3A_54 : memref<1x96x128xi32, #tpu.memory_space<hbm>> -> memref<96x128xi32, #tpu.memory_space<hbm>>
      %dma_start3A_56 = arith.constant 0 : i32
      %dma_start3A_57 = arith.constant 0 : i32
      %dma_start3A_58 = tpu.memref_slice %arg4[%add3A, %dma_start3A_56, %dma_start3A_57] : memref<32x96x128xi32, #tpu.memory_space<hbm>> -> memref<1x96x128xi32, #tpu.memory_space<hbm>>
      %dma_start3A_59 = tpu.memref_squeeze %dma_start3A_58 : memref<1x96x128xi32, #tpu.memory_space<hbm>> -> memref<96x128xi32, #tpu.memory_space<hbm>>
      tpu.enqueue_dma source(%dma_start3A_59 : memref<96x128xi32, #tpu.memory_space<hbm>>) target(%arg7 : memref<96x128xi32, #tpu.memory_space<vmem>>) target_semaphore(%run_scoped3A : memref<!tpu.dma_semaphore, #tpu.memory_space<semaphore_mem>>)
      %dma_wait3A = arith.constant 0 : i32
      %dma_wait3A_60 = arith.constant 0 : i32
      %dma_wait3A_61 = tpu.memref_slice %arg4[%add3A, %dma_wait3A, %dma_wait3A_60] : memref<32x96x128xi32, #tpu.memory_space<hbm>> -> memref<1x96x128xi32, #tpu.memory_space<hbm>>
      %dma_wait3A_62 = tpu.memref_squeeze %dma_wait3A_61 : memref<1x96x128xi32, #tpu.memory_space<hbm>> -> memref<96x128xi32, #tpu.memory_space<hbm>>
      %dma_wait3A_63 = arith.constant 0 : i32
      %dma_wait3A_64 = arith.constant 0 : i32
      %dma_wait3A_65 = tpu.memref_slice %arg4[%add3A, %dma_wait3A_63, %dma_wait3A_64] : memref<32x96x128xi32, #tpu.memory_space<hbm>> -> memref<1x96x128xi32, #tpu.memory_space<hbm>>
      %dma_wait3A_66 = tpu.memref_squeeze %dma_wait3A_65 : memref<1x96x128xi32, #tpu.memory_space<hbm>> -> memref<96x128xi32, #tpu.memory_space<hbm>>
      tpu.wait_dma2 semaphore(%run_scoped3A : memref<!tpu.dma_semaphore, #tpu.memory_space<semaphore_mem>>) src(%dma_wait3A_66 : memref<96x128xi32, #tpu.memory_space<hbm>>) dst(%arg7 : memref<96x128xi32, #tpu.memory_space<vmem>>)
      tpu.yield
    }) : () -> ()
    %eq3A = arith.constant 0 : i32
    %eq3A_26 = arith.cmpi eq, %arg0, %eq3A : i32
    %convert_element_type3A = arith.extui %eq3A_26 : i1 to i32
    %cond3A = arith.constant 0 : i32
    %cond3A_27 = arith.cmpi ne, %convert_element_type3A, %cond3A : i32
    scf.if %cond3A_27 {
      %scan3A_53 = arith.constant 0 : i32
      %scan3A_54 = arith.constant 0 : i32
      %scan3A_55 = arith.constant 96 : i32
      %scan3A_56 = arith.addi %scan3A_54, %scan3A_55 : i32
      %scan3A_57 = arith.constant 1 : i32
      scf.for %scan3A_59 = %scan3A_54 to %scan3A_56 step %scan3A_57  : i32 {
        %dma_start3A = arith.constant 0 : i32
        %dma_start3A_60 = tpu.memref_slice %arg6[%scan3A_59, %dma_start3A] : memref<96x128xi32, #tpu.memory_space<vmem>> -> memref<1x128xi32, #tpu.memory_space<vmem>>
        %dma_start3A_61 = tpu.memref_squeeze %dma_start3A_60 : memref<1x128xi32, #tpu.memory_space<vmem>> -> memref<128xi32, #tpu.memory_space<vmem>>
        %dma_start3A_62 = arith.constant 0 : i32
        %dma_start3A_63 = arith.constant 0 : i32
        %dma_start3A_64 = tpu.memref_slice %arg2[%dma_start3A_62, %dma_start3A_63] : memref<10240x128xf32, #tpu.memory_space<hbm>> -> memref<10240x128xf32, #tpu.memory_space<hbm>>
        tpu.enqueue_indirect_dma source(%dma_start3A_64 : memref<10240x128xf32, #tpu.memory_space<hbm>>) target(%arg8 : memref<128x128xf32, #tpu.memory_space<vmem>>) offsets(%dma_start3A_61 : memref<128xi32, #tpu.memory_space<vmem>>) semaphore(%arg10 : memref<!tpu.dma_semaphore, #tpu.memory_space<semaphore_mem>>)
        %dma_wait3A = arith.constant 0 : i32
        %dma_wait3A_65 = tpu.memref_slice %arg6[%scan3A_59, %dma_wait3A] : memref<96x128xi32, #tpu.memory_space<vmem>> -> memref<1x128xi32, #tpu.memory_space<vmem>>
        %dma_wait3A_66 = tpu.memref_squeeze %dma_wait3A_65 : memref<1x128xi32, #tpu.memory_space<vmem>> -> memref<128xi32, #tpu.memory_space<vmem>>
        %dma_wait3A_67 = arith.constant 0 : i32
        %dma_wait3A_68 = arith.constant 0 : i32
        %dma_wait3A_69 = tpu.memref_slice %arg2[%dma_wait3A_67, %dma_wait3A_68] : memref<10240x128xf32, #tpu.memory_space<hbm>> -> memref<10240x128xf32, #tpu.memory_space<hbm>>
        tpu.wait_indirect_dma semaphore(%arg10 : memref<!tpu.dma_semaphore, #tpu.memory_space<semaphore_mem>>) src(%dma_wait3A_69 : memref<10240x128xf32, #tpu.memory_space<hbm>>) dst(%arg8 : memref<128x128xf32, #tpu.memory_space<vmem>>)
        "tpu.region"() ({
          %run_scoped3A = tpu.sem_alloc : memref<!tpu.dma_semaphore, #tpu.memory_space<semaphore_mem>>
          %dma_start3A_70 = arith.constant 0 : i32
          %dma_start3A_71 = tpu.memref_slice %arg7[%scan3A_59, %dma_start3A_70] : memref<96x128xi32, #tpu.memory_space<vmem>> -> memref<1x128xi32, #tpu.memory_space<vmem>>
          %dma_start3A_72 = tpu.memref_squeeze %dma_start3A_71 : memref<1x128xi32, #tpu.memory_space<vmem>> -> memref<128xi32, #tpu.memory_space<vmem>>
          %dma_start3A_73 = arith.constant 0 : i32
          %dma_start3A_74 = arith.constant 0 : i32
          %dma_start3A_75 = tpu.memref_slice %arg9[%dma_start3A_73, %dma_start3A_74] : memref<10240x128xf32, #tpu.memory_space<vmem_shared>> -> memref<10240x128xf32, #tpu.memory_space<vmem_shared>>
          tpu.enqueue_indirect_dma source(%arg8 : memref<128x128xf32, #tpu.memory_space<vmem>>) target(%dma_start3A_75 : memref<10240x128xf32, #tpu.memory_space<vmem_shared>>) offsets(%dma_start3A_72 : memref<128xi32, #tpu.memory_space<vmem>>) semaphore(%run_scoped3A : memref<!tpu.dma_semaphore, #tpu.memory_space<semaphore_mem>>) {add = true}
          %dma_wait3A_76 = arith.constant 0 : i32
          %dma_wait3A_77 = tpu.memref_slice %arg7[%scan3A_59, %dma_wait3A_76] : memref<96x128xi32, #tpu.memory_space<vmem>> -> memref<1x128xi32, #tpu.memory_space<vmem>>
          %dma_wait3A_78 = tpu.memref_squeeze %dma_wait3A_77 : memref<1x128xi32, #tpu.memory_space<vmem>> -> memref<128xi32, #tpu.memory_space<vmem>>
          %dma_wait3A_79 = arith.constant 0 : i32
          %dma_wait3A_80 = arith.constant 0 : i32
          %dma_wait3A_81 = tpu.memref_slice %arg9[%dma_wait3A_79, %dma_wait3A_80] : memref<10240x128xf32, #tpu.memory_space<vmem_shared>> -> memref<10240x128xf32, #tpu.memory_space<vmem_shared>>
          tpu.wait_indirect_dma semaphore(%run_scoped3A : memref<!tpu.dma_semaphore, #tpu.memory_space<semaphore_mem>>) src(%arg8 : memref<128x128xf32, #tpu.memory_space<vmem>>) dst(%dma_wait3A_81 : memref<10240x128xf32, #tpu.memory_space<vmem_shared>>)
          tpu.yield
        }) : () -> ()
      }
      %scan3A_58 = arith.constant 96 : i32
    } else {
    }
    %ne3A = arith.constant 0 : i32
    %ne3A_28 = arith.cmpi ne, %arg0, %ne3A : i32
    %convert_element_type3A_29 = arith.extui %ne3A_28 : i1 to i32
    %cond3A_30 = arith.constant 0 : i32
    %cond3A_31 = arith.cmpi ne, %convert_element_type3A_29, %cond3A_30 : i32
    scf.if %cond3A_31 {
      %scan3A_53 = arith.constant 0 : i32
      %scan3A_54 = arith.constant 0 : i32
      %scan3A_55 = arith.constant 64 : i32
      %scan3A_56 = arith.addi %scan3A_54, %scan3A_55 : i32
      %scan3A_57 = arith.constant 1 : i32
      scf.for %scan3A_59 = %scan3A_54 to %scan3A_56 step %scan3A_57  : i32 {
        %dma_start3A = arith.constant 0 : i32
        %dma_start3A_60 = tpu.memref_slice %arg6[%scan3A_59, %dma_start3A] : memref<96x128xi32, #tpu.memory_space<vmem>> -> memref<1x128xi32, #tpu.memory_space<vmem>>
        %dma_start3A_61 = tpu.memref_squeeze %dma_start3A_60 : memref<1x128xi32, #tpu.memory_space<vmem>> -> memref<128xi32, #tpu.memory_space<vmem>>
        %dma_start3A_62 = arith.constant 0 : i32
        %dma_start3A_63 = arith.constant 0 : i32
        %dma_start3A_64 = tpu.memref_slice %arg2[%dma_start3A_62, %dma_start3A_63] : memref<10240x128xf32, #tpu.memory_space<hbm>> -> memref<10240x128xf32, #tpu.memory_space<hbm>>
        tpu.enqueue_indirect_dma source(%dma_start3A_64 : memref<10240x128xf32, #tpu.memory_space<hbm>>) target(%arg8 : memref<128x128xf32, #tpu.memory_space<vmem>>) offsets(%dma_start3A_61 : memref<128xi32, #tpu.memory_space<vmem>>) semaphore(%arg10 : memref<!tpu.dma_semaphore, #tpu.memory_space<semaphore_mem>>)
        %dma_wait3A = arith.constant 0 : i32
        %dma_wait3A_65 = tpu.memref_slice %arg6[%scan3A_59, %dma_wait3A] : memref<96x128xi32, #tpu.memory_space<vmem>> -> memref<1x128xi32, #tpu.memory_space<vmem>>
        %dma_wait3A_66 = tpu.memref_squeeze %dma_wait3A_65 : memref<1x128xi32, #tpu.memory_space<vmem>> -> memref<128xi32, #tpu.memory_space<vmem>>
        %dma_wait3A_67 = arith.constant 0 : i32
        %dma_wait3A_68 = arith.constant 0 : i32
        %dma_wait3A_69 = tpu.memref_slice %arg2[%dma_wait3A_67, %dma_wait3A_68] : memref<10240x128xf32, #tpu.memory_space<hbm>> -> memref<10240x128xf32, #tpu.memory_space<hbm>>
        tpu.wait_indirect_dma semaphore(%arg10 : memref<!tpu.dma_semaphore, #tpu.memory_space<semaphore_mem>>) src(%dma_wait3A_69 : memref<10240x128xf32, #tpu.memory_space<hbm>>) dst(%arg8 : memref<128x128xf32, #tpu.memory_space<vmem>>)
        "tpu.region"() ({
          %run_scoped3A = tpu.sem_alloc : memref<!tpu.dma_semaphore, #tpu.memory_space<semaphore_mem>>
          %dma_start3A_70 = arith.constant 0 : i32
          %dma_start3A_71 = tpu.memref_slice %arg7[%scan3A_59, %dma_start3A_70] : memref<96x128xi32, #tpu.memory_space<vmem>> -> memref<1x128xi32, #tpu.memory_space<vmem>>
          %dma_start3A_72 = tpu.memref_squeeze %dma_start3A_71 : memref<1x128xi32, #tpu.memory_space<vmem>> -> memref<128xi32, #tpu.memory_space<vmem>>
          %dma_start3A_73 = arith.constant 0 : i32
          %dma_start3A_74 = arith.constant 0 : i32
          %dma_start3A_75 = tpu.memref_slice %arg9[%dma_start3A_73, %dma_start3A_74] : memref<10240x128xf32, #tpu.memory_space<vmem_shared>> -> memref<10240x128xf32, #tpu.memory_space<vmem_shared>>
          tpu.enqueue_indirect_dma source(%arg8 : memref<128x128xf32, #tpu.memory_space<vmem>>) target(%dma_start3A_75 : memref<10240x128xf32, #tpu.memory_space<vmem_shared>>) offsets(%dma_start3A_72 : memref<128xi32, #tpu.memory_space<vmem>>) semaphore(%run_scoped3A : memref<!tpu.dma_semaphore, #tpu.memory_space<semaphore_mem>>) {add = true}
          %dma_wait3A_76 = arith.constant 0 : i32
          %dma_wait3A_77 = tpu.memref_slice %arg7[%scan3A_59, %dma_wait3A_76] : memref<96x128xi32, #tpu.memory_space<vmem>> -> memref<1x128xi32, #tpu.memory_space<vmem>>
          %dma_wait3A_78 = tpu.memref_squeeze %dma_wait3A_77 : memref<1x128xi32, #tpu.memory_space<vmem>> -> memref<128xi32, #tpu.memory_space<vmem>>
          %dma_wait3A_79 = arith.constant 0 : i32
          %dma_wait3A_80 = arith.constant 0 : i32
          %dma_wait3A_81 = tpu.memref_slice %arg9[%dma_wait3A_79, %dma_wait3A_80] : memref<10240x128xf32, #tpu.memory_space<vmem_shared>> -> memref<10240x128xf32, #tpu.memory_space<vmem_shared>>
          tpu.wait_indirect_dma semaphore(%run_scoped3A : memref<!tpu.dma_semaphore, #tpu.memory_space<semaphore_mem>>) src(%arg8 : memref<128x128xf32, #tpu.memory_space<vmem>>) dst(%dma_wait3A_81 : memref<10240x128xf32, #tpu.memory_space<vmem_shared>>)
          tpu.yield
        }) : () -> ()
      }
      %scan3A_58 = arith.constant 64 : i32
    } else {
    }
    %barrier3A_32 = arith.constant 0 : index
    tpu.barrier barrier_id(%barrier3A_32)
    %mul3A_33 = arith.constant 640 : i32
    %mul3A_34 = arith.muli %arg1, %mul3A_33 : i32
    %add3A_35 = arith.constant 0 : i32
    %add3A_36 = arith.addi %mul3A_34, %add3A_35 : i32
    "tpu.region"() ({
      %run_scoped3A = tpu.sem_alloc : memref<!tpu.dma_semaphore, #tpu.memory_space<semaphore_mem>>
      %dma_start3A = arith.constant 0 : i32
      %dma_start3A_53 = tpu.memref_slice %arg5[%arg0, %add3A_36, %dma_start3A] : memref<2x10240x128xf32, #tpu.memory_space<hbm>> -> memref<1x128x128xf32, #tpu.memory_space<hbm>>
      %dma_start3A_54 = tpu.memref_squeeze %dma_start3A_53 : memref<1x128x128xf32, #tpu.memory_space<hbm>> -> memref<128x128xf32, #tpu.memory_space<hbm>>
      %dma_start3A_55 = arith.constant 0 : i32
      %dma_start3A_56 = tpu.memref_slice %arg9[%add3A_36, %dma_start3A_55] : memref<10240x128xf32, #tpu.memory_space<vmem_shared>> -> memref<128x128xf32, #tpu.memory_space<vmem_shared>>
      tpu.enqueue_dma source(%dma_start3A_56 : memref<128x128xf32, #tpu.memory_space<vmem_shared>>) target(%dma_start3A_54 : memref<128x128xf32, #tpu.memory_space<hbm>>) target_semaphore(%run_scoped3A : memref<!tpu.dma_semaphore, #tpu.memory_space<semaphore_mem>>)
      %dma_wait3A = arith.constant 0 : i32
      %dma_wait3A_57 = tpu.memref_slice %arg5[%arg0, %add3A_36, %dma_wait3A] : memref<2x10240x128xf32, #tpu.memory_space<hbm>> -> memref<1x128x128xf32, #tpu.memory_space<hbm>>
      %dma_wait3A_58 = tpu.memref_squeeze %dma_wait3A_57 : memref<1x128x128xf32, #tpu.memory_space<hbm>> -> memref<128x128xf32, #tpu.memory_space<hbm>>
      %dma_wait3A_59 = arith.constant 0 : i32
      %dma_wait3A_60 = tpu.memref_slice %arg9[%add3A_36, %dma_wait3A_59] : memref<10240x128xf32, #tpu.memory_space<vmem_shared>> -> memref<128x128xf32, #tpu.memory_space<vmem_shared>>
      tpu.wait_dma2 semaphore(%run_scoped3A : memref<!tpu.dma_semaphore, #tpu.memory_space<semaphore_mem>>) src(%dma_wait3A_60 : memref<128x128xf32, #tpu.memory_space<vmem_shared>>) dst(%dma_wait3A_58 : memref<128x128xf32, #tpu.memory_space<hbm>>)
      tpu.yield
    }) : () -> ()
    %mul3A_37 = arith.constant 640 : i32
    %mul3A_38 = arith.muli %arg1, %mul3A_37 : i32
    %add3A_39 = arith.constant 128 : i32
    %add3A_40 = arith.addi %mul3A_38, %add3A_39 : i32
    "tpu.region"() ({
      %run_scoped3A = tpu.sem_alloc : memref<!tpu.dma_semaphore, #tpu.memory_space<semaphore_mem>>
      %dma_start3A = arith.constant 0 : i32
      %dma_start3A_53 = tpu.memref_slice %arg5[%arg0, %add3A_40, %dma_start3A] : memref<2x10240x128xf32, #tpu.memory_space<hbm>> -> memref<1x128x128xf32, #tpu.memory_space<hbm>>
      %dma_start3A_54 = tpu.memref_squeeze %dma_start3A_53 : memref<1x128x128xf32, #tpu.memory_space<hbm>> -> memref<128x128xf32, #tpu.memory_space<hbm>>
      %dma_start3A_55 = arith.constant 0 : i32
      %dma_start3A_56 = tpu.memref_slice %arg9[%add3A_40, %dma_start3A_55] : memref<10240x128xf32, #tpu.memory_space<vmem_shared>> -> memref<128x128xf32, #tpu.memory_space<vmem_shared>>
      tpu.enqueue_dma source(%dma_start3A_56 : memref<128x128xf32, #tpu.memory_space<vmem_shared>>) target(%dma_start3A_54 : memref<128x128xf32, #tpu.memory_space<hbm>>) target_semaphore(%run_scoped3A : memref<!tpu.dma_semaphore, #tpu.memory_space<semaphore_mem>>)
      %dma_wait3A = arith.constant 0 : i32
      %dma_wait3A_57 = tpu.memref_slice %arg5[%arg0, %add3A_40, %dma_wait3A] : memref<2x10240x128xf32, #tpu.memory_space<hbm>> -> memref<1x128x128xf32, #tpu.memory_space<hbm>>
      %dma_wait3A_58 = tpu.memref_squeeze %dma_wait3A_57 : memref<1x128x128xf32, #tpu.memory_space<hbm>> -> memref<128x128xf32, #tpu.memory_space<hbm>>
      %dma_wait3A_59 = arith.constant 0 : i32
      %dma_wait3A_60 = tpu.memref_slice %arg9[%add3A_40, %dma_wait3A_59] : memref<10240x128xf32, #tpu.memory_space<vmem_shared>> -> memref<128x128xf32, #tpu.memory_space<vmem_shared>>
      tpu.wait_dma2 semaphore(%run_scoped3A : memref<!tpu.dma_semaphore, #tpu.memory_space<semaphore_mem>>) src(%dma_wait3A_60 : memref<128x128xf32, #tpu.memory_space<vmem_shared>>) dst(%dma_wait3A_58 : memref<128x128xf32, #tpu.memory_space<hbm>>)
      tpu.yield
    }) : () -> ()
    %mul3A_41 = arith.constant 640 : i32
    %mul3A_42 = arith.muli %arg1, %mul3A_41 : i32
    %add3A_43 = arith.constant 256 : i32
    %add3A_44 = arith.addi %mul3A_42, %add3A_43 : i32
    "tpu.region"() ({
      %run_scoped3A = tpu.sem_alloc : memref<!tpu.dma_semaphore, #tpu.memory_space<semaphore_mem>>
      %dma_start3A = arith.constant 0 : i32
      %dma_start3A_53 = tpu.memref_slice %arg5[%arg0, %add3A_44, %dma_start3A] : memref<2x10240x128xf32, #tpu.memory_space<hbm>> -> memref<1x128x128xf32, #tpu.memory_space<hbm>>
      %dma_start3A_54 = tpu.memref_squeeze %dma_start3A_53 : memref<1x128x128xf32, #tpu.memory_space<hbm>> -> memref<128x128xf32, #tpu.memory_space<hbm>>
      %dma_start3A_55 = arith.constant 0 : i32
      %dma_start3A_56 = tpu.memref_slice %arg9[%add3A_44, %dma_start3A_55] : memref<10240x128xf32, #tpu.memory_space<vmem_shared>> -> memref<128x128xf32, #tpu.memory_space<vmem_shared>>
      tpu.enqueue_dma source(%dma_start3A_56 : memref<128x128xf32, #tpu.memory_space<vmem_shared>>) target(%dma_start3A_54 : memref<128x128xf32, #tpu.memory_space<hbm>>) target_semaphore(%run_scoped3A : memref<!tpu.dma_semaphore, #tpu.memory_space<semaphore_mem>>)
      %dma_wait3A = arith.constant 0 : i32
      %dma_wait3A_57 = tpu.memref_slice %arg5[%arg0, %add3A_44, %dma_wait3A] : memref<2x10240x128xf32, #tpu.memory_space<hbm>> -> memref<1x128x128xf32, #tpu.memory_space<hbm>>
      %dma_wait3A_58 = tpu.memref_squeeze %dma_wait3A_57 : memref<1x128x128xf32, #tpu.memory_space<hbm>> -> memref<128x128xf32, #tpu.memory_space<hbm>>
      %dma_wait3A_59 = arith.constant 0 : i32
      %dma_wait3A_60 = tpu.memref_slice %arg9[%add3A_44, %dma_wait3A_59] : memref<10240x128xf32, #tpu.memory_space<vmem_shared>> -> memref<128x128xf32, #tpu.memory_space<vmem_shared>>
      tpu.wait_dma2 semaphore(%run_scoped3A : memref<!tpu.dma_semaphore, #tpu.memory_space<semaphore_mem>>) src(%dma_wait3A_60 : memref<128x128xf32, #tpu.memory_space<vmem_shared>>) dst(%dma_wait3A_58 : memref<128x128xf32, #tpu.memory_space<hbm>>)
      tpu.yield
    }) : () -> ()
    %mul3A_45 = arith.constant 640 : i32
    %mul3A_46 = arith.muli %arg1, %mul3A_45 : i32
    %add3A_47 = arith.constant 384 : i32
    %add3A_48 = arith.addi %mul3A_46, %add3A_47 : i32
    "tpu.region"() ({
      %run_scoped3A = tpu.sem_alloc : memref<!tpu.dma_semaphore, #tpu.memory_space<semaphore_mem>>
      %dma_start3A = arith.constant 0 : i32
      %dma_start3A_53 = tpu.memref_slice %arg5[%arg0, %add3A_48, %dma_start3A] : memref<2x10240x128xf32, #tpu.memory_space<hbm>> -> memref<1x128x128xf32, #tpu.memory_space<hbm>>
      %dma_start3A_54 = tpu.memref_squeeze %dma_start3A_53 : memref<1x128x128xf32, #tpu.memory_space<hbm>> -> memref<128x128xf32, #tpu.memory_space<hbm>>
      %dma_start3A_55 = arith.constant 0 : i32
      %dma_start3A_56 = tpu.memref_slice %arg9[%add3A_48, %dma_start3A_55] : memref<10240x128xf32, #tpu.memory_space<vmem_shared>> -> memref<128x128xf32, #tpu.memory_space<vmem_shared>>
      tpu.enqueue_dma source(%dma_start3A_56 : memref<128x128xf32, #tpu.memory_space<vmem_shared>>) target(%dma_start3A_54 : memref<128x128xf32, #tpu.memory_space<hbm>>) target_semaphore(%run_scoped3A : memref<!tpu.dma_semaphore, #tpu.memory_space<semaphore_mem>>)
      %dma_wait3A = arith.constant 0 : i32
      %dma_wait3A_57 = tpu.memref_slice %arg5[%arg0, %add3A_48, %dma_wait3A] : memref<2x10240x128xf32, #tpu.memory_space<hbm>> -> memref<1x128x128xf32, #tpu.memory_space<hbm>>
      %dma_wait3A_58 = tpu.memref_squeeze %dma_wait3A_57 : memref<1x128x128xf32, #tpu.memory_space<hbm>> -> memref<128x128xf32, #tpu.memory_space<hbm>>
      %dma_wait3A_59 = arith.constant 0 : i32
      %dma_wait3A_60 = tpu.memref_slice %arg9[%add3A_48, %dma_wait3A_59] : memref<10240x128xf32, #tpu.memory_space<vmem_shared>> -> memref<128x128xf32, #tpu.memory_space<vmem_shared>>
      tpu.wait_dma2 semaphore(%run_scoped3A : memref<!tpu.dma_semaphore, #tpu.memory_space<semaphore_mem>>) src(%dma_wait3A_60 : memref<128x128xf32, #tpu.memory_space<vmem_shared>>) dst(%dma_wait3A_58 : memref<128x128xf32, #tpu.memory_space<hbm>>)
      tpu.yield
    }) : () -> ()
    %mul3A_49 = arith.constant 640 : i32
    %mul3A_50 = arith.muli %arg1, %mul3A_49 : i32
    %add3A_51 = arith.constant 512 : i32
    %add3A_52 = arith.addi %mul3A_50, %add3A_51 : i32
    "tpu.region"() ({
      %run_scoped3A = tpu.sem_alloc : memref<!tpu.dma_semaphore, #tpu.memory_space<semaphore_mem>>
      %dma_start3A = arith.constant 0 : i32
      %dma_start3A_53 = tpu.memref_slice %arg5[%arg0, %add3A_52, %dma_start3A] : memref<2x10240x128xf32, #tpu.memory_space<hbm>> -> memref<1x128x128xf32, #tpu.memory_space<hbm>>
      %dma_start3A_54 = tpu.memref_squeeze %dma_start3A_53 : memref<1x128x128xf32, #tpu.memory_space<hbm>> -> memref<128x128xf32, #tpu.memory_space<hbm>>
      %dma_start3A_55 = arith.constant 0 : i32
      %dma_start3A_56 = tpu.memref_slice %arg9[%add3A_52, %dma_start3A_55] : memref<10240x128xf32, #tpu.memory_space<vmem_shared>> -> memref<128x128xf32, #tpu.memory_space<vmem_shared>>
      tpu.enqueue_dma source(%dma_start3A_56 : memref<128x128xf32, #tpu.memory_space<vmem_shared>>) target(%dma_start3A_54 : memref<128x128xf32, #tpu.memory_space<hbm>>) target_semaphore(%run_scoped3A : memref<!tpu.dma_semaphore, #tpu.memory_space<semaphore_mem>>)
      %dma_wait3A = arith.constant 0 : i32
      %dma_wait3A_57 = tpu.memref_slice %arg5[%arg0, %add3A_52, %dma_wait3A] : memref<2x10240x128xf32, #tpu.memory_space<hbm>> -> memref<1x128x128xf32, #tpu.memory_space<hbm>>
      %dma_wait3A_58 = tpu.memref_squeeze %dma_wait3A_57 : memref<1x128x128xf32, #tpu.memory_space<hbm>> -> memref<128x128xf32, #tpu.memory_space<hbm>>
      %dma_wait3A_59 = arith.constant 0 : i32
      %dma_wait3A_60 = tpu.memref_slice %arg9[%add3A_52, %dma_wait3A_59] : memref<10240x128xf32, #tpu.memory_space<vmem_shared>> -> memref<128x128xf32, #tpu.memory_space<vmem_shared>>
      tpu.wait_dma2 semaphore(%run_scoped3A : memref<!tpu.dma_semaphore, #tpu.memory_space<semaphore_mem>>) src(%dma_wait3A_60 : memref<128x128xf32, #tpu.memory_space<vmem_shared>>) dst(%dma_wait3A_58 : memref<128x128xf32, #tpu.memory_space<hbm>>)
      tpu.yield
    }) : () -> ()
    return
  }
}

module attributes {stable_mosaic.version = 14 : i64} {
  func.func @_enc_body(%arg0: i32, %arg1: memref<2048x128xf32, #tpu.memory_space<vmem>>, %arg2: memref<128x128xf32, #tpu.memory_space<vmem>>, %arg3: memref<128x128xf32, #tpu.memory_space<vmem>>, %arg4: memref<2048x2xf32, #tpu.memory_space<vmem>>, %arg5: memref<2048x128xf32, #tpu.memory_space<vmem>>, %arg6: memref<2048x128xf32, #tpu.memory_space<vmem>>, %arg7: memref<2048x1xf32, #tpu.memory_space<vmem>>) attributes {dimension_semantics = [#tpu.dimension_semantics<arbitrary>], iteration_bounds = array<i64: 5>, scalar_prefetch = 0 : i64, scratch_operands = 0 : i64, tpu.core_type = #tpu.core_type<tc>, window_params = [{transform_indices = @transform_0, window_bounds = array<i64: 2048, 128>}, {pipeline_mode = #tpu.pipeline_mode<synchronous>, transform_indices = @transform_1, window_bounds = array<i64: 128, 128>}, {pipeline_mode = #tpu.pipeline_mode<synchronous>, transform_indices = @transform_2, window_bounds = array<i64: 128, 128>}, {transform_indices = @transform_3, window_bounds = array<i64: 2048, 2>}, {transform_indices = @transform_4, window_bounds = array<i64: 2048, 128>}, {transform_indices = @transform_5, window_bounds = array<i64: 2048, 128>}, {transform_indices = @transform_6, window_bounds = array<i64: 2048, 1>}]} {
    %get3A = arith.constant 0 : index
    %get3A_0 = arith.constant 0 : index
    %get3A_1 = vector.load %arg1[%get3A, %get3A_0] : memref<2048x128xf32, #tpu.memory_space<vmem>>, vector<2048x128xf32>
    %get3A_2 = arith.constant 0 : index
    %get3A_3 = arith.constant 0 : index
    %get3A_4 = vector.load %arg2[%get3A_2, %get3A_3] : memref<128x128xf32, #tpu.memory_space<vmem>>, vector<128x128xf32>
    %dot_general3A = arith.constant dense<0.000000e+00> : vector<2048x128xf32>
    %dot_general3A_5 = tpu.matmul %get3A_1, %get3A_4, %dot_general3A {dimension_numbers = #tpu.dot_dimension_numbers<[1], [0], [0], [1], [0, 0, 1, 1], [], []>, transpose_lhs_hint = false} : vector<2048x128xf32>, vector<128x128xf32>, vector<2048x128xf32> -> vector<2048x128xf32>
    %get3A_6 = arith.constant 0 : index
    %get3A_7 = arith.constant 0 : index
    %get3A_8 = vector.load %arg4[%get3A_6, %get3A_7] : memref<2048x2xf32, #tpu.memory_space<vmem>>, vector<2048x2xf32>
    %slice3A = vector.extract_strided_slice %get3A_8 {offsets = [0, 0], sizes = [2048, 1], strides = [1, 1]} : vector<2048x2xf32> to vector<2048x1xf32>
    %slice3A_9 = vector.extract_strided_slice %get3A_8 {offsets = [0, 1], sizes = [2048, 1], strides = [1, 1]} : vector<2048x2xf32> to vector<2048x1xf32>
    %add3A = arith.addf %slice3A, %slice3A_9 : vector<2048x1xf32>
    %add3A_10 = arith.constant 1.000000e+00 : f32
    %add3A_11 = vector.broadcast %add3A_10 : f32 to vector<2048x1xf32>
    %add3A_12 = arith.addf %add3A, %add3A_11 : vector<2048x1xf32>
    %rsqrt3A = math.rsqrt %add3A_12 : vector<2048x1xf32>
    %get3A_13 = arith.constant 0 : index
    %get3A_14 = arith.constant 0 : index
    %get3A_15 = vector.load %arg3[%get3A_13, %get3A_14] : memref<128x128xf32, #tpu.memory_space<vmem>>, vector<128x128xf32>
    %transpose3A = tpu.transpose %get3A_15, [1, 0] : vector<128x128xf32> -> vector<128x128xf32>
    %add3A_16 = arith.addf %get3A_15, %transpose3A : vector<128x128xf32>
    %mul3A = arith.constant 5.000000e-01 : f32
    %mul3A_17 = vector.broadcast %mul3A : f32 to vector<128x128xf32>
    %mul3A_18 = arith.mulf %mul3A_17, %add3A_16 : vector<128x128xf32>
    %dot_general3A_19 = arith.constant dense<0.000000e+00> : vector<2048x128xf32>
    %dot_general3A_20 = tpu.matmul %dot_general3A_5, %mul3A_18, %dot_general3A_19 {dimension_numbers = #tpu.dot_dimension_numbers<[1], [0], [0], [1], [0, 0, 1, 1], [], []>, transpose_lhs_hint = false} : vector<2048x128xf32>, vector<128x128xf32>, vector<2048x128xf32> -> vector<2048x128xf32>
    %swap3A = arith.constant 0 : index
    %swap3A_21 = arith.constant 0 : index
    %swap3A_22 = vector.load %arg5[%swap3A, %swap3A_21] : memref<2048x128xf32, #tpu.memory_space<vmem>>, vector<2048x128xf32>
    tpu.vector_store %arg5[%swap3A, %swap3A_21], %dot_general3A_5 {strides = array<i32>} : memref<2048x128xf32, #tpu.memory_space<vmem>>, vector<2048x128xf32>,
    %mul3A_23 = vector.broadcast %rsqrt3A : vector<2048x1xf32> to vector<2048x128xf32>
    %mul3A_24 = arith.mulf %mul3A_23, %dot_general3A_20 : vector<2048x128xf32>
    %swap3A_25 = arith.constant 0 : index
    %swap3A_26 = arith.constant 0 : index
    %swap3A_27 = vector.load %arg6[%swap3A_25, %swap3A_26] : memref<2048x128xf32, #tpu.memory_space<vmem>>, vector<2048x128xf32>
    tpu.vector_store %arg6[%swap3A_25, %swap3A_26], %mul3A_24 {strides = array<i32>} : memref<2048x128xf32, #tpu.memory_space<vmem>>, vector<2048x128xf32>,
    %swap3A_28 = arith.constant 0 : index
    %swap3A_29 = arith.constant 0 : index
    %swap3A_30 = vector.load %arg7[%swap3A_28, %swap3A_29] : memref<2048x1xf32, #tpu.memory_space<vmem>>, vector<2048x1xf32>
    tpu.vector_store %arg7[%swap3A_28, %swap3A_29], %rsqrt3A {strides = array<i32>} : memref<2048x1xf32, #tpu.memory_space<vmem>>, vector<2048x1xf32>,
    return
  }
  func.func @transform_0(%arg0: i32) -> (i32, i32) {
    %c0_i32 = arith.constant 0 : i32
    %c0_i32_0 = arith.constant 0 : i32
    return %arg0, %c0_i32 : i32, i32
  }
  func.func @transform_1(%arg0: i32) -> (i32, i32) {
    %c0_i32 = arith.constant 0 : i32
    %c0_i32_0 = arith.constant 0 : i32
    %c0_i32_1 = arith.constant 0 : i32
    return %c0_i32, %c0_i32_0 : i32, i32
  }
  func.func @transform_2(%arg0: i32) -> (i32, i32) {
    %c0_i32 = arith.constant 0 : i32
    %c0_i32_0 = arith.constant 0 : i32
    %c0_i32_1 = arith.constant 0 : i32
    return %c0_i32, %c0_i32_0 : i32, i32
  }
  func.func @transform_3(%arg0: i32) -> (i32, i32) {
    %c0_i32 = arith.constant 0 : i32
    %c0_i32_0 = arith.constant 0 : i32
    return %arg0, %c0_i32 : i32, i32
  }
  func.func @transform_4(%arg0: i32) -> (i32, i32) {
    %c0_i32 = arith.constant 0 : i32
    %c0_i32_0 = arith.constant 0 : i32
    return %arg0, %c0_i32 : i32, i32
  }
  func.func @transform_5(%arg0: i32) -> (i32, i32) {
    %c0_i32 = arith.constant 0 : i32
    %c0_i32_0 = arith.constant 0 : i32
    return %arg0, %c0_i32 : i32, i32
  }
  func.func @transform_6(%arg0: i32) -> (i32, i32) {
    %c0_i32 = arith.constant 0 : i32
    %c0_i32_0 = arith.constant 0 : i32
    return %arg0, %c0_i32 : i32, i32
  }
}

module attributes {stable_mosaic.version = 14 : i64} {
  func.func @_layer_body(%arg0: i32, %arg1: memref<2048x128xf32, #tpu.memory_space<vmem>>, %arg2: memref<2048x128xf32, #tpu.memory_space<vmem>>, %arg3: memref<2x2048x128xf32, #tpu.memory_space<vmem>>, %arg4: memref<2048x128xf32, #tpu.memory_space<vmem>>, %arg5: memref<2048x1xf32, #tpu.memory_space<vmem>>, %arg6: memref<1x128xf32, #tpu.memory_space<vmem>>, %arg7: memref<1x1xf32, #tpu.memory_space<vmem>>, %arg8: memref<128x128xf32, #tpu.memory_space<vmem>>, %arg9: memref<2048x128xf32, #tpu.memory_space<vmem>>, %arg10: memref<2048x128xf32, #tpu.memory_space<vmem>>) attributes {dimension_semantics = [#tpu.dimension_semantics<arbitrary>], iteration_bounds = array<i64: 5>, scalar_prefetch = 0 : i64, scratch_operands = 0 : i64, tpu.core_type = #tpu.core_type<tc>, window_params = [{transform_indices = @transform_0, window_bounds = array<i64: 2048, 128>}, {transform_indices = @transform_1, window_bounds = array<i64: 2048, 128>}, {transform_indices = @transform_2, window_bounds = array<i64: 2, 2048, 128>}, {transform_indices = @transform_3, window_bounds = array<i64: 2048, 128>}, {transform_indices = @transform_4, window_bounds = array<i64: 2048, 1>}, {pipeline_mode = #tpu.pipeline_mode<synchronous>, transform_indices = @transform_5, window_bounds = array<i64: 1, 128>}, {pipeline_mode = #tpu.pipeline_mode<synchronous>, transform_indices = @transform_6, window_bounds = array<i64: 1, 1>}, {pipeline_mode = #tpu.pipeline_mode<synchronous>, transform_indices = @transform_7, window_bounds = array<i64: 128, 128>}, {transform_indices = @transform_8, window_bounds = array<i64: 2048, 128>}, {transform_indices = @transform_9, window_bounds = array<i64: 2048, 128>}]} {
    %get3A = arith.constant 0 : index
    %get3A_0 = arith.constant 0 : index
    %get3A_1 = vector.load %arg1[%get3A, %get3A_0] : memref<2048x128xf32, #tpu.memory_space<vmem>>, vector<2048x128xf32>
    %get3A_2 = arith.constant 0 : index
    %get3A_3 = arith.constant 0 : index
    %get3A_4 = vector.load %arg4[%get3A_2, %get3A_3] : memref<2048x128xf32, #tpu.memory_space<vmem>>, vector<2048x128xf32>
    %get3A_5 = arith.constant 0 : index
    %get3A_6 = arith.constant 0 : index
    %get3A_7 = vector.load %arg5[%get3A_5, %get3A_6] : memref<2048x1xf32, #tpu.memory_space<vmem>>, vector<2048x1xf32>
    %get3A_8 = arith.constant 0 : index
    %get3A_9 = arith.constant 0 : index
    %get3A_10 = arith.constant 0 : index
    %get3A_11 = vector.load %arg3[%get3A_8, %get3A_9, %get3A_10] : memref<2x2048x128xf32, #tpu.memory_space<vmem>>, vector<1x2048x128xf32>
    %get3A_12 = vector.shape_cast %get3A_11 : vector<1x2048x128xf32> to vector<2048x128xf32>
    %get3A_13 = arith.constant 1 : index
    %get3A_14 = arith.constant 0 : index
    %get3A_15 = arith.constant 0 : index
    %get3A_16 = vector.load %arg3[%get3A_13, %get3A_14, %get3A_15] : memref<2x2048x128xf32, #tpu.memory_space<vmem>>, vector<1x2048x128xf32>
    %get3A_17 = vector.shape_cast %get3A_16 : vector<1x2048x128xf32> to vector<2048x128xf32>
    %add3A = arith.addf %get3A_12, %get3A_17 : vector<2048x128xf32>
    %add3A_18 = arith.addf %add3A, %get3A_4 : vector<2048x128xf32>
    %mul3A = vector.broadcast %get3A_7 : vector<2048x1xf32> to vector<2048x128xf32>
    %mul3A_19 = arith.mulf %mul3A, %add3A_18 : vector<2048x128xf32>
    %get3A_20 = arith.constant 0 : index
    %get3A_21 = arith.constant 0 : index
    %get3A_22 = vector.load %arg6[%get3A_20, %get3A_21] : memref<1x128xf32, #tpu.memory_space<vmem>>, vector<1x128xf32>
    %mul3A_23 = vector.broadcast %get3A_22 : vector<1x128xf32> to vector<2048x128xf32>
    %mul3A_24 = arith.mulf %get3A_1, %mul3A_23 : vector<2048x128xf32>
    %sub3A = arith.subf %mul3A_19, %mul3A_24 : vector<2048x128xf32>
    %get3A_25 = arith.constant 0 : index
    %get3A_26 = arith.constant 0 : index
    %get3A_27 = vector.load %arg7[%get3A_25, %get3A_26] : memref<1x1xf32, #tpu.memory_space<vmem>>, vector<1x1xf32>
    %get3A_28 = vector.extract %get3A_27[0, 0] : f32 from vector<1x1xf32>
    %get3A_29 = arith.constant 0 : index
    %get3A_30 = arith.constant 0 : index
    %get3A_31 = vector.load %arg2[%get3A_29, %get3A_30] : memref<2048x128xf32, #tpu.memory_space<vmem>>, vector<2048x128xf32>
    %mul3A_32 = vector.broadcast %get3A_28 : f32 to vector<2048x128xf32>
    %mul3A_33 = arith.mulf %mul3A_32, %get3A_31 : vector<2048x128xf32>
    %sub3A_34 = arith.subf %sub3A, %mul3A_33 : vector<2048x128xf32>
    %mul3A_35 = arith.constant 1.000000e-01 : f32
    %mul3A_36 = vector.broadcast %mul3A_35 : f32 to vector<2048x128xf32>
    %mul3A_37 = arith.mulf %mul3A_36, %sub3A_34 : vector<2048x128xf32>
    %add3A_38 = arith.addf %get3A_1, %mul3A_37 : vector<2048x128xf32>
    %get3A_39 = arith.constant 0 : index
    %get3A_40 = arith.constant 0 : index
    %get3A_41 = vector.load %arg8[%get3A_39, %get3A_40] : memref<128x128xf32, #tpu.memory_space<vmem>>, vector<128x128xf32>
    %transpose3A = tpu.transpose %get3A_41, [1, 0] : vector<128x128xf32> -> vector<128x128xf32>
    %add3A_42 = arith.addf %get3A_41, %transpose3A : vector<128x128xf32>
    %mul3A_43 = arith.constant 5.000000e-01 : f32
    %mul3A_44 = vector.broadcast %mul3A_43 : f32 to vector<128x128xf32>
    %mul3A_45 = arith.mulf %mul3A_44, %add3A_42 : vector<128x128xf32>
    %swap3A = arith.constant 0 : index
    %swap3A_46 = arith.constant 0 : index
    %swap3A_47 = vector.load %arg9[%swap3A, %swap3A_46] : memref<2048x128xf32, #tpu.memory_space<vmem>>, vector<2048x128xf32>
    tpu.vector_store %arg9[%swap3A, %swap3A_46], %add3A_38 {strides = array<i32>} : memref<2048x128xf32, #tpu.memory_space<vmem>>, vector<2048x128xf32>,
    %dot_general3A = arith.constant dense<0.000000e+00> : vector<2048x128xf32>
    %dot_general3A_48 = tpu.matmul %add3A_38, %mul3A_45, %dot_general3A {dimension_numbers = #tpu.dot_dimension_numbers<[1], [0], [0], [1], [0, 0, 1, 1], [], []>, transpose_lhs_hint = false} : vector<2048x128xf32>, vector<128x128xf32>, vector<2048x128xf32> -> vector<2048x128xf32>
    %mul3A_49 = vector.broadcast %get3A_7 : vector<2048x1xf32> to vector<2048x128xf32>
    %mul3A_50 = arith.mulf %mul3A_49, %dot_general3A_48 : vector<2048x128xf32>
    %swap3A_51 = arith.constant 0 : index
    %swap3A_52 = arith.constant 0 : index
    %swap3A_53 = vector.load %arg10[%swap3A_51, %swap3A_52] : memref<2048x128xf32, #tpu.memory_space<vmem>>, vector<2048x128xf32>
    tpu.vector_store %arg10[%swap3A_51, %swap3A_52], %mul3A_50 {strides = array<i32>} : memref<2048x128xf32, #tpu.memory_space<vmem>>, vector<2048x128xf32>,
    return
  }
  func.func @transform_0(%arg0: i32) -> (i32, i32) {
    %c0_i32 = arith.constant 0 : i32
    %c0_i32_0 = arith.constant 0 : i32
    return %arg0, %c0_i32 : i32, i32
  }
  func.func @transform_1(%arg0: i32) -> (i32, i32) {
    %c0_i32 = arith.constant 0 : i32
    %c0_i32_0 = arith.constant 0 : i32
    return %arg0, %c0_i32 : i32, i32
  }
  func.func @transform_2(%arg0: i32) -> (i32, i32, i32) {
    %c0_i32 = arith.constant 0 : i32
    %c0_i32_0 = arith.constant 0 : i32
    %c0_i32_1 = arith.constant 0 : i32
    return %c0_i32, %arg0, %c0_i32_0 : i32, i32, i32
  }
  func.func @transform_3(%arg0: i32) -> (i32, i32) {
    %c0_i32 = arith.constant 0 : i32
    %c0_i32_0 = arith.constant 0 : i32
    return %arg0, %c0_i32 : i32, i32
  }
  func.func @transform_4(%arg0: i32) -> (i32, i32) {
    %c0_i32 = arith.constant 0 : i32
    %c0_i32_0 = arith.constant 0 : i32
    return %arg0, %c0_i32 : i32, i32
  }
  func.func @transform_5(%arg0: i32) -> (i32, i32) {
    %c0_i32 = arith.constant 0 : i32
    %c0_i32_0 = arith.constant 0 : i32
    %c0_i32_1 = arith.constant 0 : i32
    return %c0_i32, %c0_i32_0 : i32, i32
  }
  func.func @transform_6(%arg0: i32) -> (i32, i32) {
    %c0_i32 = arith.constant 0 : i32
    %c0_i32_0 = arith.constant 0 : i32
    %c0_i32_1 = arith.constant 0 : i32
    return %c0_i32, %c0_i32_0 : i32, i32
  }
  func.func @transform_7(%arg0: i32) -> (i32, i32) {
    %c0_i32 = arith.constant 0 : i32
    %c0_i32_0 = arith.constant 0 : i32
    %c0_i32_1 = arith.constant 0 : i32
    return %c0_i32, %c0_i32_0 : i32, i32
  }
  func.func @transform_8(%arg0: i32) -> (i32, i32) {
    %c0_i32 = arith.constant 0 : i32
    %c0_i32_0 = arith.constant 0 : i32
    return %arg0, %c0_i32 : i32, i32
  }
  func.func @transform_9(%arg0: i32) -> (i32, i32) {
    %c0_i32 = arith.constant 0 : i32
    %c0_i32_0 = arith.constant 0 : i32
    return %arg0, %c0_i32 : i32, i32
  }
}

module attributes {stable_mosaic.version = 14 : i64} {
  func.func @_final_body(%arg0: i32, %arg1: memref<2048x128xf32, #tpu.memory_space<vmem>>, %arg2: memref<2048x128xf32, #tpu.memory_space<vmem>>, %arg3: memref<2x2048x128xf32, #tpu.memory_space<vmem>>, %arg4: memref<2048x128xf32, #tpu.memory_space<vmem>>, %arg5: memref<2048x1xf32, #tpu.memory_space<vmem>>, %arg6: memref<1x128xf32, #tpu.memory_space<vmem>>, %arg7: memref<1x1xf32, #tpu.memory_space<vmem>>, %arg8: memref<128x16xf32, #tpu.memory_space<vmem>>, %arg9: memref<2048x16xf32, #tpu.memory_space<vmem>>) attributes {dimension_semantics = [#tpu.dimension_semantics<arbitrary>], iteration_bounds = array<i64: 5>, scalar_prefetch = 0 : i64, scratch_operands = 0 : i64, tpu.core_type = #tpu.core_type<tc>, window_params = [{transform_indices = @transform_0, window_bounds = array<i64: 2048, 128>}, {transform_indices = @transform_1, window_bounds = array<i64: 2048, 128>}, {transform_indices = @transform_2, window_bounds = array<i64: 2, 2048, 128>}, {transform_indices = @transform_3, window_bounds = array<i64: 2048, 128>}, {transform_indices = @transform_4, window_bounds = array<i64: 2048, 1>}, {pipeline_mode = #tpu.pipeline_mode<synchronous>, transform_indices = @transform_5, window_bounds = array<i64: 1, 128>}, {pipeline_mode = #tpu.pipeline_mode<synchronous>, transform_indices = @transform_6, window_bounds = array<i64: 1, 1>}, {pipeline_mode = #tpu.pipeline_mode<synchronous>, transform_indices = @transform_7, window_bounds = array<i64: 128, 16>}, {transform_indices = @transform_8, window_bounds = array<i64: 2048, 16>}]} {
    %get3A = arith.constant 0 : index
    %get3A_0 = arith.constant 0 : index
    %get3A_1 = vector.load %arg1[%get3A, %get3A_0] : memref<2048x128xf32, #tpu.memory_space<vmem>>, vector<2048x128xf32>
    %get3A_2 = arith.constant 0 : index
    %get3A_3 = arith.constant 0 : index
    %get3A_4 = vector.load %arg5[%get3A_2, %get3A_3] : memref<2048x1xf32, #tpu.memory_space<vmem>>, vector<2048x1xf32>
    %get3A_5 = arith.constant 0 : index
    %get3A_6 = arith.constant 0 : index
    %get3A_7 = arith.constant 0 : index
    %get3A_8 = vector.load %arg3[%get3A_5, %get3A_6, %get3A_7] : memref<2x2048x128xf32, #tpu.memory_space<vmem>>, vector<1x2048x128xf32>
    %get3A_9 = vector.shape_cast %get3A_8 : vector<1x2048x128xf32> to vector<2048x128xf32>
    %get3A_10 = arith.constant 1 : index
    %get3A_11 = arith.constant 0 : index
    %get3A_12 = arith.constant 0 : index
    %get3A_13 = vector.load %arg3[%get3A_10, %get3A_11, %get3A_12] : memref<2x2048x128xf32, #tpu.memory_space<vmem>>, vector<1x2048x128xf32>
    %get3A_14 = vector.shape_cast %get3A_13 : vector<1x2048x128xf32> to vector<2048x128xf32>
    %add3A = arith.addf %get3A_9, %get3A_14 : vector<2048x128xf32>
    %get3A_15 = arith.constant 0 : index
    %get3A_16 = arith.constant 0 : index
    %get3A_17 = vector.load %arg4[%get3A_15, %get3A_16] : memref<2048x128xf32, #tpu.memory_space<vmem>>, vector<2048x128xf32>
    %add3A_18 = arith.addf %add3A, %get3A_17 : vector<2048x128xf32>
    %mul3A = vector.broadcast %get3A_4 : vector<2048x1xf32> to vector<2048x128xf32>
    %mul3A_19 = arith.mulf %mul3A, %add3A_18 : vector<2048x128xf32>
    %get3A_20 = arith.constant 0 : index
    %get3A_21 = arith.constant 0 : index
    %get3A_22 = vector.load %arg6[%get3A_20, %get3A_21] : memref<1x128xf32, #tpu.memory_space<vmem>>, vector<1x128xf32>
    %mul3A_23 = vector.broadcast %get3A_22 : vector<1x128xf32> to vector<2048x128xf32>
    %mul3A_24 = arith.mulf %get3A_1, %mul3A_23 : vector<2048x128xf32>
    %sub3A = arith.subf %mul3A_19, %mul3A_24 : vector<2048x128xf32>
    %get3A_25 = arith.constant 0 : index
    %get3A_26 = arith.constant 0 : index
    %get3A_27 = vector.load %arg7[%get3A_25, %get3A_26] : memref<1x1xf32, #tpu.memory_space<vmem>>, vector<1x1xf32>
    %get3A_28 = vector.extract %get3A_27[0, 0] : f32 from vector<1x1xf32>
    %get3A_29 = arith.constant 0 : index
    %get3A_30 = arith.constant 0 : index
    %get3A_31 = vector.load %arg2[%get3A_29, %get3A_30] : memref<2048x128xf32, #tpu.memory_space<vmem>>, vector<2048x128xf32>
    %mul3A_32 = vector.broadcast %get3A_28 : f32 to vector<2048x128xf32>
    %mul3A_33 = arith.mulf %mul3A_32, %get3A_31 : vector<2048x128xf32>
    %sub3A_34 = arith.subf %sub3A, %mul3A_33 : vector<2048x128xf32>
    %mul3A_35 = arith.constant 1.000000e-01 : f32
    %mul3A_36 = vector.broadcast %mul3A_35 : f32 to vector<2048x128xf32>
    %mul3A_37 = arith.mulf %mul3A_36, %sub3A_34 : vector<2048x128xf32>
    %add3A_38 = arith.addf %get3A_1, %mul3A_37 : vector<2048x128xf32>
    %get3A_39 = arith.constant 0 : index
    %get3A_40 = arith.constant 0 : index
    %get3A_41 = vector.load %arg8[%get3A_39, %get3A_40] : memref<128x16xf32, #tpu.memory_space<vmem>>, vector<128x16xf32>
    %dot_general3A = arith.constant dense<0.000000e+00> : vector<2048x16xf32>
    %dot_general3A_42 = tpu.matmul %add3A_38, %get3A_41, %dot_general3A {dimension_numbers = #tpu.dot_dimension_numbers<[1], [0], [0], [1], [0, 0, 1, 1], [], []>, transpose_lhs_hint = false} : vector<2048x128xf32>, vector<128x16xf32>, vector<2048x16xf32> -> vector<2048x16xf32>
    %reduce_max3A = arith.constant dense<0xFF800000> : vector<2048xf32>
    %reduce_max3A_43 = vector.multi_reduction <maximumf>, %dot_general3A_42, %reduce_max3A [1] : vector<2048x16xf32> to vector<2048xf32>
    %broadcast_in_dim3A = vector.shape_cast %reduce_max3A_43 : vector<2048xf32> to vector<2048x1xf32>
    %sub3A_44 = vector.broadcast %broadcast_in_dim3A : vector<2048x1xf32> to vector<2048x16xf32>
    %sub3A_45 = arith.subf %dot_general3A_42, %sub3A_44 : vector<2048x16xf32>
    %exp3A = math.exp %sub3A_45 : vector<2048x16xf32>
    %reduce_sum3A = arith.constant dense<0.000000e+00> : vector<2048xf32>
    %reduce_sum3A_46 = vector.multi_reduction <add>, %exp3A, %reduce_sum3A [1] : vector<2048x16xf32> to vector<2048xf32>
    %broadcast_in_dim3A_47 = vector.shape_cast %reduce_sum3A_46 : vector<2048xf32> to vector<2048x1xf32>
    %log3A = math.log %broadcast_in_dim3A_47 : vector<2048x1xf32>
    %sub3A_48 = vector.broadcast %log3A : vector<2048x1xf32> to vector<2048x16xf32>
    %sub3A_49 = arith.subf %sub3A_45, %sub3A_48 : vector<2048x16xf32>
    %swap3A = arith.constant 0 : index
    %swap3A_50 = arith.constant 0 : index
    %swap3A_51 = vector.load %arg9[%swap3A, %swap3A_50] : memref<2048x16xf32, #tpu.memory_space<vmem>>, vector<2048x16xf32>
    tpu.vector_store %arg9[%swap3A, %swap3A_50], %sub3A_49 {strides = array<i32>} : memref<2048x16xf32, #tpu.memory_space<vmem>>, vector<2048x16xf32>,
    return
  }
  func.func @transform_0(%arg0: i32) -> (i32, i32) {
    %c0_i32 = arith.constant 0 : i32
    %c0_i32_0 = arith.constant 0 : i32
    return %arg0, %c0_i32 : i32, i32
  }
  func.func @transform_1(%arg0: i32) -> (i32, i32) {
    %c0_i32 = arith.constant 0 : i32
    %c0_i32_0 = arith.constant 0 : i32
    return %arg0, %c0_i32 : i32, i32
  }
  func.func @transform_2(%arg0: i32) -> (i32, i32, i32) {
    %c0_i32 = arith.constant 0 : i32
    %c0_i32_0 = arith.constant 0 : i32
    %c0_i32_1 = arith.constant 0 : i32
    return %c0_i32, %arg0, %c0_i32_0 : i32, i32, i32
  }
  func.func @transform_3(%arg0: i32) -> (i32, i32) {
    %c0_i32 = arith.constant 0 : i32
    %c0_i32_0 = arith.constant 0 : i32
    return %arg0, %c0_i32 : i32, i32
  }
  func.func @transform_4(%arg0: i32) -> (i32, i32) {
    %c0_i32 = arith.constant 0 : i32
    %c0_i32_0 = arith.constant 0 : i32
    return %arg0, %c0_i32 : i32, i32
  }
  func.func @transform_5(%arg0: i32) -> (i32, i32) {
    %c0_i32 = arith.constant 0 : i32
    %c0_i32_0 = arith.constant 0 : i32
    %c0_i32_1 = arith.constant 0 : i32
    return %c0_i32, %c0_i32_0 : i32, i32
  }
  func.func @transform_6(%arg0: i32) -> (i32, i32) {
    %c0_i32 = arith.constant 0 : i32
    %c0_i32_0 = arith.constant 0 : i32
    %c0_i32_1 = arith.constant 0 : i32
    return %c0_i32, %c0_i32_0 : i32, i32
  }
  func.func @transform_7(%arg0: i32) -> (i32, i32) {
    %c0_i32 = arith.constant 0 : i32
    %c0_i32_0 = arith.constant 0 : i32
    %c0_i32_1 = arith.constant 0 : i32
    return %c0_i32, %c0_i32_0 : i32, i32
  }
  func.func @transform_8(%arg0: i32) -> (i32, i32) {
    %c0_i32 = arith.constant 0 : i32
    %c0_i32_0 = arith.constant 0 : i32
    return %arg0, %c0_i32 : i32, i32
  }
}

</mosaic_0001>

<sc_bundles>
// kernel: kernel.11.cloned.1.call-start
scs
__scs_entry_jumppad:
0x0: {  	(pc) =	sbr.rel $0x88, $3  }
0x1: {  	(tag) =	ssettag $0x0;
	lr =	simm.s32 $0x1  }
0x2: {  	[smem:$0x3F9A] =	sst lr;
	_ =	strace $0xD0000000  }
0x3: {  	_ = 	snop  }
0x4: {  	_ = 	snop  }
0x5: {  	_ = 	snop  }
0x6: {  	_ = 	snop  }
0x7: {  	_ = 	snop  }
__scs_overlays_trampoline_lowered:
0x8: {  	[smem:$0x3FA9] =	sst s0  }
0x9: {  	[smem:$0x3FAA] =	sst s1  }
0xa: {  	[smem:$0x3FAB] =	sst s2  }
0xb: {  	[smem:$0x3FAC] =	sst s3  }
0xc: {  	[smem:$0x3FAD] =	sst s4  }
0xd: {  	[smem:$0x3FAE] =	sst s5  }
0xe: {  	[smem:$0x3FAF] =	sst s6  }
0xf: {  	[smem:$0x3FB0] =	sst s7  }
0x10: {  	[smem:$0x3FB1] =	sst s8  }
0x11: {  	[smem:$0x3FB2] =	sst s9;
	s0 =	simm.s32 @!p0 $0x0  }
0x12: {  	s1 =	sld [smem:$0x3F98];
	s0 =	simm.s32 @p0 $0x1  }
0x13: {  	[smem:$0x3FB3] =	sst s0;
	s0 =	simm.s32 @!p1 $0x0  }
0x14: {  	s2 =	sld [smem:$0x3F97];
	s0 =	simm.s32 @p1 $0x1  }
0x15: {  	[smem:$0x3FB4] =	sst s0;
	s0 =	simm.s32 @!p2 $0x0  }
0x16: {  	s3 =	sld [smem:$0x3FDB];
	s0 =	simm.s32 @p2 $0x1  }
0x17: {  	s4 =	simm.s32 $0x1BF5;
	[smem:$0x3FB6] =	sst s0  }
0x18: {  	s0 =	sld [smem:$0x3F99];
	_ =	swait.ge [sflag:s4], $0x0  }
0x19: {  	s7 =	sld [smem:$0x3F9A]  }
0x1a: {  	s8 =	sadd.s32 $0xFFFFE003, lr  }
0x1b: {  	s9 =	sadd.s32 $0xFFFFFEF7, lr;
	s5 =	simm.s32 $0xFFFFFFFF;
	p2 =	slt.u32 s8, $0xFFFFF086  }
0x1c: {  	p1 =	slt.u32 s9, $0xF7A;
	s5 =	simm.s32 @!p2 $0x0  }
0x1d: {  	s5 =	simm.s32 @p1 $0x1;
	p0 =	seq.s32 s7, s2  }
0x1e: {  	s7 =	smul.u32 @!p0 $0xF7A, s2;
	p2 =	seq.s32 @!p0 s5, $0x0  }
0x1f: {  	s9 =	smul.u32 $0xF7A, s1;
	s8 =	simm.s32 @!p0 $0x1BF5;
	p2 =	por !p2, p0  }
0x20: {  	[sflag:s8] =	ssyncset.s32 @!p0 $0xFFFFF086;
	s6 =	sadd.s32 @!p0 s3, s7;
	s7 =	simm.s32 @!p0 $0x108  }
0x21: {  	s3 =	sadd.s32 s3, s9;
	s6 =	sadd.s32 @!p0 $0x88, s6;
	s7 =	simm.s32 @p2 $0x1082  }
0x22: {  	[simem:s7], [sflag:s8] =	dma.local @!p0 [hbm:s6], $0xF7A  }
0x23: {  	s9 =	sor.u32 $0xD0000000, s2;
	s6 =	simm.s32 $0x108;
	_ =	swait.ge @!p0 [sflag:s8], $0x0  }
0x24: {  	s3 =	sadd.s32 $0x88, s3;
	s6 =	simm.s32 @!p1 $0x1082;
	[sflag:s4] =	ssyncset.s32 $0xFFFFF086  }
0x25: {  	[simem:s6], [sflag:s4] =	dma.local [hbm:s3], $0xF7A  }
0x26: {  	[smem:$0x3F9A] =	sst s1;
	(tag) =	ssettag s2;
	_ =	strace s9  }
0x27: {  	s1 =	sld [smem:$0x3FAA]  }
0x28: {  	s2 =	sld [smem:$0x3FAB]  }
0x29: {  	s4 =	sld [smem:$0x3FAD]  }
0x2a: {  	p0 =	seq.s32 s5, $0x0;
	s5 =	sld [smem:$0x3FAE]  }
0x2b: {  	s6 =	sld [smem:$0x3FAF]  }
0x2c: {  	s7 =	sld [smem:$0x3FB0]  }
0x2d: {  	s3 =	simm.s32 $0x108;
	s8 =	sld [smem:$0x3FB1]  }
0x2e: {  	s3 =	simm.s32 @!p0 $0x1082;
	s9 =	sld [smem:$0x3FB2]  }
0x2f: {  	lr =	sadd.s32 s0, s3;
	s0 =	sld [smem:$0x3FA9]  }
0x30: {  	s3 =	sld [smem:$0x3FAC]  }
0x31: {  	[smem:$0x3FB5] =	sst s10  }
0x32: {  	s10 =	sld [smem:$0x3FB3];
	_ =	sdelay $0x3  }
0x33: {  	p0 =	seq.s32 s10, $0x1;
	s10 =	sld [smem:$0x3FB5];
	_ =	sdelay $0x3  }
0x34: {  	[smem:$0x3FB5] =	sst s10  }
0x35: {  	s10 =	sld [smem:$0x3FB4];
	_ =	sdelay $0x3  }
0x36: {  	p1 =	seq.s32 s10, $0x1;
	s10 =	sld [smem:$0x3FB5];
	_ =	sdelay $0x3  }
0x37: {  	[smem:$0x3FB5] =	sst s10  }
0x38: {  	s10 =	sld [smem:$0x3FB6]  }
0x39: {  	_ = 	snop;
	(pc) =	sbr.ind lr, $3  }
0x3a: {  	_ = 	snop  }
0x3b: {  	_ = 	snop  }
0x3c: {  	p2 =	seq.s32 s10, $0x1;
	s10 =	sld [smem:$0x3FB5]  }
0x3d: {  	_ =	shalt  }
0x3e: {  	_ =	shalt  }
0x3f: {  	_ =	shalt  }
0x40: {  	_ =	shalt  }
0x41: {  	_ =	shalt  }
0x42: {  	_ =	shalt  }
0x43: {  	_ =	shalt  }
0x44: {  	_ =	shalt  }
0x45: {  	_ =	shalt  }
0x46: {  	_ =	shalt  }
0x47: {  	_ =	shalt  }
0x48: {  	_ =	shalt  }
0x49: {  	_ =	shalt  }
0x4a: {  	_ =	shalt  }
0x4b: {  	_ =	shalt  }
0x4c: {  	_ =	shalt  }
0x4d: {  	_ =	shalt  }
0x4e: {  	_ =	shalt  }
0x4f: {  	_ =	shalt  }
0x50: {  	_ =	shalt  }
0x51: {  	_ =	shalt  }
0x52: {  	_ =	shalt  }
0x53: {  	_ =	shalt  }
0x54: {  	_ =	shalt  }
0x55: {  	_ =	shalt  }
0x56: {  	_ =	shalt  }
0x57: {  	_ =	shalt  }
0x58: {  	_ =	shalt  }
0x59: {  	_ =	shalt  }
0x5a: {  	_ =	shalt  }
0x5b: {  	_ =	shalt  }
0x5c: {  	_ =	shalt  }
0x5d: {  	_ =	shalt  }
0x5e: {  	_ =	shalt  }
0x5f: {  	_ =	shalt  }
0x60: {  	_ =	shalt  }
0x61: {  	_ =	shalt  }
0x62: {  	_ =	shalt  }
0x63: {  	_ =	shalt  }
0x64: {  	_ =	shalt  }
0x65: {  	_ =	shalt  }
0x66: {  	_ =	shalt  }
0x67: {  	_ =	shalt  }
0x68: {  	_ =	shalt  }
0x69: {  	_ =	shalt  }
0x6a: {  	_ =	shalt  }
0x6b: {  	_ =	shalt  }
0x6c: {  	_ =	shalt  }
0x6d: {  	_ =	shalt  }
0x6e: {  	_ =	shalt  }
0x6f: {  	_ =	shalt  }
0x70: {  	_ =	shalt  }
0x71: {  	_ =	shalt  }
0x72: {  	_ =	shalt  }
0x73: {  	_ =	shalt  }
0x74: {  	_ =	shalt  }
0x75: {  	_ =	shalt  }
0x76: {  	_ =	shalt  }
0x77: {  	_ =	shalt  }
0x78: {  	_ =	shalt  }
0x79: {  	_ =	shalt  }
0x7a: {  	_ =	shalt  }
0x7b: {  	_ =	shalt  }
0x7c: {  	_ =	shalt  }
0x7d: {  	_ =	shalt  }
0x7e: {  	_ =	shalt  }
0x7f: {  	_ =	shalt  }
0x80: {  	_ =	shalt  }
0x81: {  	_ =	shalt  }
0x82: {  	_ =	shalt  }
0x83: {  	_ =	shalt  }
0x84: {  	_ =	shalt  }
0x85: {  	_ =	shalt  }
0x86: {  	_ =	shalt  }
0x87: {  	_ =	shalt  }
.Lfunc_end0:
.L_simem_size_0:
called_computation.1_lowered:
.L_overlay_start_0:
0x88: {  	s2 =	sld [smem:$0x3FD9]  }
0x89: {  	s3 =	sld [smem:$0x3FFE];
	_ =	sdelay $0x1  }
0x8a: {  	s1 =	srdreg.scid  }
0x8b: {  	s0 =	sand.u32 $0x1, s1  }
0x8c: {  	s16 =	sshll.u32 s0, $0xA;
	s2 =	sadd.s32 s3, s2  }
0x8d: {  	s2 =	sadd.s32 s2, s16  }
0x8e: {  	[smem:$0x3FC1] =	sst s2  }
0x8f: {  	_ = 	snop  }
0x90: {  	(tm) =	ssettm $0x1  }
0x91: {  	s17 =	sld [smem:$0x3FFB];
	_ =	sdelay $0x3  }
0x92: {  	_ =	strace s17  }
0x93: {  	s2 =	sld [smem:$0x3FFC];
	_ =	sdelay $0x3  }
0x94: {  	_ =	strace s2  }
0x95: {  	s2 =	sld [smem:$0x3FFD];
	_ =	sdelay $0x3  }
0x96: {  	_ =	strace s2  }
0x97: {  	_ =	strace $0x8FFFFFFF  }
0x98: {  	s18 =	sld [smem:$0x3FDB];
	_ =	sdelay $0x1  }
0x99: {  	s19 =	simm.s32 $_scs_section_size  }
0x9a: {  	s4 =	simm.s32 $_size__tile_overlayer_lowered;
	s5 =	simm.s32 $_tile_overlayer_lowered  }
0x9b: {  	s22 =	simm.s32 $0x1BFF;
	s21 =	sshll.u32 s5, $0x1;
	s2 =	sadd.s32 s19, s18  }
0x9c: {  	s6 =	simm.s32 $0x0;
	s20 =	sshll.u32 s4, $0x1;
	s4 =	sadd.s32 s21, s2  }
0x9d: {  	[timem:s6], [sflag:s22] =	dma.local [hbm:s4], s20  }
0x9e: {  	_ =	swait.ge [sflag:s22], s20  }
0x9f: {  	s3 =	ssub.s32 $0x0, s20;
	[sflag:s22] =	ssyncset.done $0x0  }
0xa0: {  	[sflag:s22] =	ssyncadd.s32 s3;
	_ =	sdelay $0x1  }
0xa1: {  	s23 =	simm.s32 $0x1B8B  }
0xa2: {  	_ =	swait.ge [sflag:s23], $0x1  }
0xa3: {  	[sflag:s23] =	ssyncset.done $0x0  }
0xa4: {  	s25 =	simm.s32 $0x1B8E;
	s24 =	sld [smem:$0x3FFE];
	[sflag:s23] =	ssyncadd.s32 $0xFFFFFFFF  }
0xa5: {  	s26 =	simm.s32 $execute0_lowered;
	[smem:$0x3FD2] =	sst s25  }
0xa6: {  	s4 =	sshll.u32 s26, $0x1;
	_ =	strace $0x80000049;
	[dreg:$0x1] =	wrdreg $0xFFFFFFFF  }
0xa7: {  	s28 =	simm.s32 $_size_execute0_lowered;
	s2 =	sadd.s32 s2, s4;
	[dreg:$0x0] =	wrdreg $0x0  }
0xa8: {  	s4 =	sshll.u32 s28, $0x1;
	[dreg:$0x2] =	wrdreg s2  }
0xa9: {  	[dreg:$0x3] =	wrdreg s4  }
0xaa: {  	[dreg:$0x4] =	wrdreg $0xC0  }
0xab: {  	_ =	task [dreg:s6], $0x5FFFF  }
0xac: {  	[dreg:$0x1] =	wrdreg $0xFFFFFFFF  }
0xad: {  	[dreg:$0x0] =	wrdreg $0x60  }
0xae: {  	[dreg:$0x2] =	wrdreg s24  }
0xaf: {  	[dreg:$0x3] =	wrdreg $0xA0000  }
0xb0: {  	[dreg:$0x4] =	wrdreg $0x9  }
0xb1: {  	_ =	task.clear_ibuf [dreg:s6], $0x5FFFF;
	_ =	strace $0x90000049  }
0xb2: {  	s29 =	simm.s32 $0x9;
	_ =	strace $0x8000004B  }
0xb3: {  	_ =	swait.ge [sflag:s29], $0x1  }
0xb4: {  	[sflag:s29] =	ssyncadd.s32 $0xFFFFFFFF  }
0xb5: {  	_ =	strace $0x9000004B  }
0xb6: {  	_ =	sfence  }
0xb7: {  	s30 =	sld [smem:$0x0];
	_ =	sdelay $0x2  }
0xb8: {  	s31 =	sshll.u32 s1, $0xD;
	s1 =	sshrl.u32 s1, $0x2  }
0xb9: {  	s3 =	sand.u32 $0x4000, s31;
	s1 =	sadd.s32 s1, s30  }
0xba: {  	s0 =	sor.u32 s3, s0;
	s1 =	sshll.u32 s1, $0x11  }
0xbb: {  	s0 =	sor.u32 s1, s0  }
0xbc: {  	s0 =	sadd.s32 $0x8F2B, s0  }
0xbd: {  	[sflag:s0] =	ssyncadd.remote.s32 $0x1  }
0xbe: {  	_ =	sfence.sel $0xFFFF  }
0xbf: {  	[dreg:$0x0] =	wrdreg $0xFFFFFFFF;
	(pc) =	sbr.abs _section_cstart, $3  }
0xc0: {  	[dreg:$0x1] =	wrdreg $0xFFFFFFFF  }
0xc1: {  	_ =	task.clear_ibuf [dreg:s6], $0x2FFFF;
	_ =	strace $0x9FFFFFFF  }
0xc2: {  	(tm) =	ssettm $0x7FFFFFFF  }
0xc3: {  	_ =	shalt  }
tec
execute0_lowered:
.L_overlay_start_1:
0x0: {  	(tag) =	ssettag $0x1  }
0x1: {  	s5 =	rddreg [dreg:$0x0]  }
0x2: {  	s0 =	srdreg.scid;
	s2 =	rddreg [dreg:$0x1]  }
0x3: {  	s1 =	stileid.u32;
	s3 =	simm.s32 $0x0;
	s22 =	simm.s32 $0x1  }
0x4: {  	s18 =	sand.u32 $0x1, s0;
	s0 =	rddreg [dreg:$0x2];
	s7 =	smul.u32 $0x50000, s1  }
0x5: {  	s23 =	simm.s32 $0x0;
	[smem:$0x7FF] =	sst s3;
	s10 =	smul.u32 $0x14000, s1  }
0x6: {  	s16 =	sadd.s32 $0x6B400, s5;
	s4 =	sshll.u32 s18, $0x4;
	_ =	strace $0x8000004A  }
0x7: {  	s28 =	ssub.s32 $0x2, s18;
	s15 =	smul.u32 $0x140000, s18;
	p0 =	sne.s32 s18, $0x0  }
0x8: {  	s18 =	simm.s32 $0x6000;
	s4 =	sor.u32 s1, s4;
	s29 =	sshrl.u32 s28, $0x1  }
0x9: {  	s7 =	sshrl.u32 s7, $0x2;
	s12 =	sadd.s32 $0x4000, s10;
	s14 =	sadd.s32 $0x8000, s10  }
0xa: {  	s19 =	sadd.s32 $0xC000, s10;
	s20 =	sadd.s32 $0x10000, s10;
	s6 =	smul.u32 $0x600, s4  }
0xb: {  	s4 =	sadd.s32 $0x1B400, s5;
	s17 =	ssub.s32 s28, s29;
	s8 =	sadd.s32 s19, s2  }
0xc: {  	s9 =	sadd.s32 s20, s2;
	s13 =	sadd.s32 s10, s15;
	s21 =	sadd.s32 s15, s12  }
0xd: {  	s19 =	sadd.s32 s15, s19;
	s20 =	sadd.s32 s15, s20;
	s13 =	sshrl.u32 s13, $0x3  }
0xe: {  	s30 =	sshrl.u32 s21, $0x3;
	s19 =	sshrl.u32 s19, $0x3;
	s31 =	sshrl.u32 s20, $0x3  }
0xf: {  	s17 =	smax.u32 s17, $0x1;
	s20 =	simm.s32 $0x3000;
	s21 =	simm.s32 $0x80  }
.Ltmp0:
0x10: {  	s11 =	sadd.s32 s6, s5;
	s5 =	sadd.s32 s7, s2;
	(pc) =	sbr.rel .LBB2_1-.Ltmp0, $4  }
0x11: {  	s6 =	sadd.s32 s12, s2;
	s7 =	sadd.s32 s14, s2;
	s12 =	sadd.s32 s16, s13  }
0x12: {  	s13 =	sadd.s32 s16, s30;
	s14 =	sadd.s32 s15, s14;
	s15 =	sadd.s32 s16, s19  }
0x13: {  	s19 =	simm.s32 $0x2;
	s10 =	sadd.s32 $0x3400, s11;
	s14 =	sshrl.u32 s14, $0x3  }
0x14: {  	v0 =	vimm.f32 $0.0e+00;
	s11 =	sadd.s32 $0xF400, s11;
	s14 =	sadd.s32 s16, s14;
	s16 =	sadd.s32 s16, s31  }
.LBB2_9:
0x15: {  	s24 =	sshra.s32 s24, $0x2;
	[sflag:s19] =	ssyncadd.s32 $0xFFFFC000  }
0x16: {  	[tilespmem:s18], [sflag:$0x1] =	stream.indirect.gather [hbm4b:s4+s21], $0x80, s24, s21, $0xb8;
	[tilespmem:$0x1E000] =	vst v63  }
0x17: {  	_ =	swait.ge [sflag:s22], $0x4000  }
0x18: {  	[sflag:s22] =	ssyncset.done $0x0  }
0x19: {  	s24 =	sadd.s32 $0x3000, s24;
	[sflag:s22] =	ssyncadd.s32 $0xFFFFC000  }
0x1a: {  	[spmem:s2] =	stream.indirect.scatter.add.f32 [tilespmem:s18], [sflag:$0x2], $0x80, s24, s21, $0xb8;
	[tilespmem:$0x1E000] =	vst v63  }
0x1b: {  	_ =	swait.ge [sflag:s19], $0x4000  }
0x1c: {  	[sflag:s19] =	ssyncset.done $0x0  }
0x1d: {  	[sflag:s19] =	ssyncadd.s32 $0xFFFFC000  }
.LBB2_10:
0x1e: {  	s24 =	sshll.u32 s1, $0x6  }
0x1f: {  	[bflag:$0x0] =	sbarrier.arrive $0xFFFF;
	s25 =	sshrl.u32 s5, $0x3;
	s24 =	sor.u32 $0x1C02, s24  }
0x20: {  	[hbm:s12], [sflag:s24] =	dma.local [spmem:s25], $0x800  }
0x21: {  	_ =	swait.ge [sflag:s19], $0x800  }
0x22: {  	[sflag:s19] =	ssyncset.done $0x0  }
0x23: {  	s28 =	sshrl.u32 s6, $0x3;
	[sflag:s19] =	ssyncadd.s32 $0xFFFFF800  }
0x24: {  	[hbm:s13], [sflag:s24] =	dma.local [spmem:s28], $0x800  }
0x25: {  	_ =	swait.ge [sflag:s19], $0x800  }
0x26: {  	[sflag:s19] =	ssyncset.done $0x0  }
0x27: {  	s29 =	sshrl.u32 s7, $0x3;
	[sflag:s19] =	ssyncadd.s32 $0xFFFFF800  }
0x28: {  	[hbm:s14], [sflag:s24] =	dma.local [spmem:s29], $0x800  }
0x29: {  	_ =	swait.ge [sflag:s19], $0x800  }
0x2a: {  	[sflag:s19] =	ssyncset.done $0x0  }
0x2b: {  	s30 =	sshrl.u32 s8, $0x3;
	[sflag:s19] =	ssyncadd.s32 $0xFFFFF800  }
0x2c: {  	[hbm:s15], [sflag:s24] =	dma.local [spmem:s30], $0x800  }
0x2d: {  	s23 =	sadd.s32 $0x1, s23;
	_ =	swait.ge [sflag:s19], $0x800  }
0x2e: {  	p1 =	sne.s32 s23, s17;
	[sflag:s19] =	ssyncset.done $0x0  }
.Ltmp1:
0x2f: {  	s31 =	sshrl.u32 s9, $0x3;
	[sflag:s19] =	ssyncadd.s32 $0xFFFFF800;
	(pc) =	sbr.rel @!p1 .LBB2_11-.Ltmp1, $4  }
0x30: {  	[hbm:s16], [sflag:s24] =	dma.local [spmem:s31], $0x800  }
0x31: {  	_ =	swait.ge [sflag:s19], $0x800  }
0x32: {  	[sflag:s19] =	ssyncset.done $0x0  }
0x33: {  	[sflag:s19] =	ssyncadd.s32 $0xFFFFF800  }
.LBB2_1:
0x34: {  	s24 =	simm.s32 $0x0  }
0x35: {  	s25 =	sand.u32 $0xFFFFFF80, s24  }
0x36: {  	s25 =	ssub.s32 $0x0, s25  }
0x37: {  	s24 =	sand.u32 $0x3FFFFF80, s24;
	s25 =	sand.u32 $0xFFFFFF80, s25  }
0x38: {  	s26 =	sand.u32 $0x70, s3;
	s25 =	sadd.s32 s25, s24  }
0x39: {  	s24 =	simm.s32 $0x1;
	s26 =	sor.u32 s26, s25;
	s25 =	simm.s32 $0x0  }
.LBB2_2:
0x3a: {  	s28 =	sshll.u32 s24, $0x4;
	p1 =	sne.s32 s24, $0x3FF;
	s24 =	sadd.s32 $0x1, s24;
	[tilespmem:s26+$0x6000] =	vst v0  }
.Ltmp2:
0x3b: {  	s25 =	sadd.s32 $0x10, s25;
	s26 =	sand.u32 $0xFFFFFF80, s28;
	(pc) =	sbr.rel @p1 .LBB2_2-.Ltmp2, $4  }
0x3c: {  	s26 =	ssub.s32 s25, s26  }
0x3d: {  	s28 =	sand.u32 $0x3FFFFF80, s28;
	s26 =	sand.u32 $0xFFFFFF80, s26  }
0x3e: {  	s29 =	sand.u32 $0x70, s25;
	s26 =	sadd.s32 s26, s28  }
0x3f: {  	s26 =	sor.u32 s29, s26  }
0x40: {  	[tilespmem:s26+$0x6000] =	vst v0  }
0x41: {  	[spmem:s5] =	stream.linear.scatter [tilespmem:s18], [sflag:$0x2], $0x4000, $0x38;
	[tilespmem:$0x1E000] =	vst v63  }
0x42: {  	_ =	swait.ge [sflag:s19], $0x4000  }
0x43: {  	[sflag:s19] =	ssyncset.done $0x0  }
0x44: {  	[sflag:s19] =	ssyncadd.s32 $0xFFFFC000  }
0x45: {  	[spmem:s6] =	stream.linear.scatter [tilespmem:s18], [sflag:$0x2], $0x4000, $0x38;
	[tilespmem:$0x1E000] =	vst v63  }
0x46: {  	_ =	swait.ge [sflag:s19], $0x4000  }
0x47: {  	[sflag:s19] =	ssyncset.done $0x0  }
0x48: {  	[sflag:s19] =	ssyncadd.s32 $0xFFFFC000  }
0x49: {  	[spmem:s7] =	stream.linear.scatter [tilespmem:s18], [sflag:$0x2], $0x4000, $0x38;
	[tilespmem:$0x1E000] =	vst v63  }
0x4a: {  	_ =	swait.ge [sflag:s19], $0x4000  }
0x4b: {  	[sflag:s19] =	ssyncset.done $0x0  }
0x4c: {  	[sflag:s19] =	ssyncadd.s32 $0xFFFFC000  }
0x4d: {  	[spmem:s8] =	stream.linear.scatter [tilespmem:s18], [sflag:$0x2], $0x4000, $0x38;
	[tilespmem:$0x1E000] =	vst v63  }
0x4e: {  	_ =	swait.ge [sflag:s19], $0x4000  }
0x4f: {  	[sflag:s19] =	ssyncset.done $0x0  }
0x50: {  	[sflag:s19] =	ssyncadd.s32 $0xFFFFC000  }
0x51: {  	[spmem:s9] =	stream.linear.scatter [tilespmem:s18], [sflag:$0x2], $0x4000, $0x38;
	[tilespmem:$0x1E000] =	vst v63  }
0x52: {  	_ =	swait.ge [sflag:s19], $0x4000  }
0x53: {  	[sflag:s19] =	ssyncset.done $0x0  }
0x54: {  	[sflag:s19] =	ssyncadd.s32 $0xFFFFC000  }
0x55: {  	s24 =	simm.s32 $0x0;
	[bflag:$0x0] =	sbarrier.arrive $0xFFFF  }
0x56: {  	[tilespmem:s24], [sflag:$0x2] =	stream.linear.gather [hbm4b:s10+s24], $0x3000, $0x38;
	[tilespmem:$0x1E000] =	vst v63  }
0x57: {  	_ =	swait.ge [sflag:s19], $0x3000  }
0x58: {  	[sflag:s19] =	ssyncset.done $0x0  }
.Ltmp3:
0x59: {  	[sflag:s19] =	ssyncadd.s32 $0xFFFFD000;
	(pc) =	sbr.rel @p0 .LBB2_7-.Ltmp3, $4  }
0x5a: {  	[tilespmem:s20], [sflag:$0x2] =	stream.linear.gather [hbm4b:s11+s24], $0x3000, $0x38;
	[tilespmem:$0x1E000] =	vst v63  }
0x5b: {  	_ =	swait.ge [sflag:s19], $0x3000  }
0x5c: {  	[sflag:s19] =	ssyncset.done $0x0  }
0x5d: {  	s24 =	simm.s32 $0x0;
	[sflag:s19] =	ssyncadd.s32 $0xFFFFD000  }
0x5e: {  	[tilespmem:s18], [sflag:$0x1] =	stream.indirect.gather [hbm4b:s4+s21], $0x80, s24, s21, $0xb8;
	[tilespmem:$0x1E000] =	vst v63  }
0x5f: {  	_ =	swait.ge [sflag:s22], $0x4000  }
0x60: {  	[sflag:s22] =	ssyncset.done $0x0  }
0x61: {  	s31 =	simm.s32 $0x3000;
	[sflag:s22] =	ssyncadd.s32 $0xFFFFC000  }
0x62: {  	[spmem:s2] =	stream.indirect.scatter.add.f32 [tilespmem:s18], [sflag:$0x2], $0x80, s31, s21, $0xb8;
	[tilespmem:$0x1E000] =	vst v63  }
0x63: {  	_ =	swait.ge [sflag:s19], $0x4000  }
0x64: {  	s24 =	simm.s32 $0x200;
	s25 =	simm.s32 $0x400;
	[sflag:s19] =	ssyncset.done $0x0  }
.LBB2_5:
0x65: {  	s26 =	sshra.s32 s24, $0x2  }
0x66: {  	[sflag:s19] =	ssyncadd.s32 $0xFFFFC000;
	s24 =	smov.u32 s25;
	s28 =	sadd.s32 $0x200, s25  }
0x67: {  	[tilespmem:s18], [sflag:$0x1] =	stream.indirect.gather [hbm4b:s4+s21], $0x80, s26, s21, $0xb8;
	[tilespmem:$0x1E000] =	vst v63  }
0x68: {  	p1 =	seq.s32 s25, $0xBE00;
	_ =	swait.ge [sflag:s22], $0x4000  }
.Ltmp4:
0x69: {  	[sflag:s22] =	ssyncset.done $0x0;
	(pc) =	sbr.rel @!p1 .LBB2_5-.Ltmp4, $4  }
0x6a: {  	s25 =	sadd.s32 $0x3000, s26;
	[sflag:s22] =	ssyncadd.s32 $0xFFFFC000  }
0x6b: {  	[spmem:s2] =	stream.indirect.scatter.add.f32 [tilespmem:s18], [sflag:$0x2], $0x80, s25, s21, $0xb8;
	[tilespmem:$0x1E000] =	vst v63  }
0x6c: {  	_ =	swait.ge [sflag:s19], $0x4000  }
0x6d: {  	s25 =	smov.u32 s28;
	[sflag:s19] =	ssyncset.done $0x0  }
0x6e: {  	s24 =	sshra.s32 s24, $0x2;
	[sflag:s19] =	ssyncadd.s32 $0xFFFFC000  }
0x6f: {  	[tilespmem:s18], [sflag:$0x1] =	stream.indirect.gather [hbm4b:s4+s21], $0x80, s24, s21, $0xb8;
	[tilespmem:$0x1E000] =	vst v63  }
0x70: {  	_ =	swait.ge [sflag:s22], $0x4000  }
0x71: {  	[sflag:s22] =	ssyncset.done $0x0  }
.Ltmp5:
0x72: {  	s24 =	sadd.s32 $0x3000, s24;
	[sflag:s22] =	ssyncadd.s32 $0xFFFFC000;
	(pc) =	sbr.rel .LBB2_10-.Ltmp5, $4  }
0x73: {  	[spmem:s2] =	stream.indirect.scatter.add.f32 [tilespmem:s18], [sflag:$0x2], $0x80, s24, s21, $0xb8;
	[tilespmem:$0x1E000] =	vst v63  }
0x74: {  	_ =	swait.ge [sflag:s19], $0x4000  }
0x75: {  	[sflag:s19] =	ssyncset.done $0x0  }
0x76: {  	[sflag:s19] =	ssyncadd.s32 $0xFFFFC000  }
.LBB2_7:
0x77: {  	[tilespmem:s18], [sflag:$0x1] =	stream.indirect.gather [hbm4b:s4+s21], $0x80, s24, s21, $0xb8;
	[tilespmem:$0x1E000] =	vst v63  }
0x78: {  	_ =	swait.ge [sflag:s22], $0x4000  }
0x79: {  	[sflag:s22] =	ssyncset.done $0x0  }
0x7a: {  	s31 =	simm.s32 $0x3000;
	[sflag:s22] =	ssyncadd.s32 $0xFFFFC000  }
0x7b: {  	[spmem:s2] =	stream.indirect.scatter.add.f32 [tilespmem:s18], [sflag:$0x2], $0x80, s31, s21, $0xb8;
	[tilespmem:$0x1E000] =	vst v63  }
0x7c: {  	_ =	swait.ge [sflag:s19], $0x4000  }
0x7d: {  	s24 =	simm.s32 $0x200;
	s25 =	simm.s32 $0x400;
	[sflag:s19] =	ssyncset.done $0x0  }
.LBB2_8:
0x7e: {  	s26 =	sshra.s32 s24, $0x2  }
0x7f: {  	[sflag:s19] =	ssyncadd.s32 $0xFFFFC000;
	s24 =	smov.u32 s25;
	s28 =	sadd.s32 $0x200, s25  }
0x80: {  	[tilespmem:s18], [sflag:$0x1] =	stream.indirect.gather [hbm4b:s4+s21], $0x80, s26, s21, $0xb8;
	[tilespmem:$0x1E000] =	vst v63  }
0x81: {  	p1 =	sne.s32 s25, $0x7E00;
	_ =	swait.ge [sflag:s22], $0x4000  }
.Ltmp6:
0x82: {  	[sflag:s22] =	ssyncset.done $0x0;
	(pc) =	sbr.rel @p1 .LBB2_8-.Ltmp6, $4  }
0x83: {  	s25 =	sadd.s32 $0x3000, s26;
	[sflag:s22] =	ssyncadd.s32 $0xFFFFC000  }
0x84: {  	[spmem:s2] =	stream.indirect.scatter.add.f32 [tilespmem:s18], [sflag:$0x2], $0x80, s25, s21, $0xb8;
	[tilespmem:$0x1E000] =	vst v63  }
0x85: {  	_ =	swait.ge [sflag:s19], $0x4000  }
0x86: {  	s25 =	smov.u32 s28;
	[sflag:s19] =	ssyncset.done $0x0  }
.Ltmp7:
0x87: {  	_ = 	snop;
	(pc) =	sbr.rel .LBB2_9-.Ltmp7, $1  }
0x88: {  	_ =	sdelay $0x3  }
.LBB2_11:
0x89: {  	_ =	sfence.sel $0x180000  }
0x8a: {  	[bflag:$0x0] =	sbarrier.arrive $0xFFFF  }
0x8b: {  	p0 =	sne.s32 s1, $0x0;
	_ =	strace $0x9000004A  }
0x8c: {  	s0 =	sadd.s32 @!p0 $0x100000, s0;
	[bflag:$0x2] =	sbarrier.arrive $0xFFFF  }
0x8d: {  	[sflag:s0] =	ssyncadd.tile.s32 @!p0 $0x1;
	_ =	shalt  }
.Lfunc_end2:
_tile_overlayer_lowered:
.L_overlay_start_2:
0x8e: {  	(tag) =	ssettag $0x2  }
0x8f: {  	s0 =	rddreg [dreg:$0x0];
	s2 =	stileid.u32  }
0x90: {  	s1 =	rddreg [dreg:$0x1];
	p0 =	sne.s32 s2, $0x0  }
0x91: {  	s3 =	rddreg [dreg:$0x2];
	[bflag:$0x3] =	sbarrier.arrive $0xFFFF;
	s2 =	simm.s32 @!p0 $0x1C02  }
0x92: {  	[timem:s3], [sflag:s2] =	dma.local @!p0 [hbm:s0], s1  }
0x93: {  	s0 =	simm.s32 @!p0 $0x2  }
0x94: {  	_ =	swait.ge @!p0 [sflag:s0], s1  }
0x95: {  	s1 =	ssub.s32 @!p0 $0x0, s1;
	[sflag:s0] =	ssyncset.done @!p0 $0x0  }
0x96: {  	[sflag:s0] =	ssyncadd.s32 @!p0 s1  }
0x97: {  	[bflag:$0x3] =	sbarrier.arrive $0xFFFF  }
0x98: {  	_ =	shalt  }

// kernel: kernel.14.cloned.1.call-start
scs
__scs_entry_jumppad:
0x0: {  	(pc) =	sbr.rel $0x88, $3  }
0x1: {  	(tag) =	ssettag $0x0;
	lr =	simm.s32 $0x1  }
0x2: {  	[smem:$0x3F9A] =	sst lr;
	_ =	strace $0xD0000000  }
0x3: {  	_ = 	snop  }
0x4: {  	_ = 	snop  }
0x5: {  	_ = 	snop  }
0x6: {  	_ = 	snop  }
0x7: {  	_ = 	snop  }
__scs_overlays_trampoline_lowered:
0x8: {  	[smem:$0x3FA9] =	sst s0  }
0x9: {  	[smem:$0x3FAA] =	sst s1  }
0xa: {  	[smem:$0x3FAB] =	sst s2  }
0xb: {  	[smem:$0x3FAC] =	sst s3  }
0xc: {  	[smem:$0x3FAD] =	sst s4  }
0xd: {  	[smem:$0x3FAE] =	sst s5  }
0xe: {  	[smem:$0x3FAF] =	sst s6  }
0xf: {  	[smem:$0x3FB0] =	sst s7  }
0x10: {  	[smem:$0x3FB1] =	sst s8  }
0x11: {  	[smem:$0x3FB2] =	sst s9;
	s0 =	simm.s32 @!p0 $0x0  }
0x12: {  	s1 =	sld [smem:$0x3F98];
	s0 =	simm.s32 @p0 $0x1  }
0x13: {  	[smem:$0x3FB3] =	sst s0;
	s0 =	simm.s32 @!p1 $0x0  }
0x14: {  	s2 =	sld [smem:$0x3F97];
	s0 =	simm.s32 @p1 $0x1  }
0x15: {  	[smem:$0x3FB4] =	sst s0;
	s0 =	simm.s32 @!p2 $0x0  }
0x16: {  	s3 =	sld [smem:$0x3FDB];
	s0 =	simm.s32 @p2 $0x1  }
0x17: {  	s4 =	simm.s32 $0x1BF5;
	[smem:$0x3FB6] =	sst s0  }
0x18: {  	s0 =	sld [smem:$0x3F99];
	_ =	swait.ge [sflag:s4], $0x0  }
0x19: {  	s7 =	sld [smem:$0x3F9A]  }
0x1a: {  	s8 =	sadd.s32 $0xFFFFE003, lr  }
0x1b: {  	s9 =	sadd.s32 $0xFFFFFEF7, lr;
	s5 =	simm.s32 $0xFFFFFFFF;
	p2 =	slt.u32 s8, $0xFFFFF086  }
0x1c: {  	p1 =	slt.u32 s9, $0xF7A;
	s5 =	simm.s32 @!p2 $0x0  }
0x1d: {  	s5 =	simm.s32 @p1 $0x1;
	p0 =	seq.s32 s7, s2  }
0x1e: {  	s7 =	smul.u32 @!p0 $0xF7A, s2;
	p2 =	seq.s32 @!p0 s5, $0x0  }
0x1f: {  	s9 =	smul.u32 $0xF7A, s1;
	s8 =	simm.s32 @!p0 $0x1BF5;
	p2 =	por !p2, p0  }
0x20: {  	[sflag:s8] =	ssyncset.s32 @!p0 $0xFFFFF086;
	s6 =	sadd.s32 @!p0 s3, s7;
	s7 =	simm.s32 @!p0 $0x108  }
0x21: {  	s3 =	sadd.s32 s3, s9;
	s6 =	sadd.s32 @!p0 $0x88, s6;
	s7 =	simm.s32 @p2 $0x1082  }
0x22: {  	[simem:s7], [sflag:s8] =	dma.local @!p0 [hbm:s6], $0xF7A  }
0x23: {  	s9 =	sor.u32 $0xD0000000, s2;
	s6 =	simm.s32 $0x108;
	_ =	swait.ge @!p0 [sflag:s8], $0x0  }
0x24: {  	s3 =	sadd.s32 $0x88, s3;
	s6 =	simm.s32 @!p1 $0x1082;
	[sflag:s4] =	ssyncset.s32 $0xFFFFF086  }
0x25: {  	[simem:s6], [sflag:s4] =	dma.local [hbm:s3], $0xF7A  }
0x26: {  	[smem:$0x3F9A] =	sst s1;
	(tag) =	ssettag s2;
	_ =	strace s9  }
0x27: {  	s1 =	sld [smem:$0x3FAA]  }
0x28: {  	s2 =	sld [smem:$0x3FAB]  }
0x29: {  	s4 =	sld [smem:$0x3FAD]  }
0x2a: {  	p0 =	seq.s32 s5, $0x0;
	s5 =	sld [smem:$0x3FAE]  }
0x2b: {  	s6 =	sld [smem:$0x3FAF]  }
0x2c: {  	s7 =	sld [smem:$0x3FB0]  }
0x2d: {  	s3 =	simm.s32 $0x108;
	s8 =	sld [smem:$0x3FB1]  }
0x2e: {  	s3 =	simm.s32 @!p0 $0x1082;
	s9 =	sld [smem:$0x3FB2]  }
0x2f: {  	lr =	sadd.s32 s0, s3;
	s0 =	sld [smem:$0x3FA9]  }
0x30: {  	s3 =	sld [smem:$0x3FAC]  }
0x31: {  	[smem:$0x3FB5] =	sst s10  }
0x32: {  	s10 =	sld [smem:$0x3FB3];
	_ =	sdelay $0x3  }
0x33: {  	p0 =	seq.s32 s10, $0x1;
	s10 =	sld [smem:$0x3FB5];
	_ =	sdelay $0x3  }
0x34: {  	[smem:$0x3FB5] =	sst s10  }
0x35: {  	s10 =	sld [smem:$0x3FB4];
	_ =	sdelay $0x3  }
0x36: {  	p1 =	seq.s32 s10, $0x1;
	s10 =	sld [smem:$0x3FB5];
	_ =	sdelay $0x3  }
0x37: {  	[smem:$0x3FB5] =	sst s10  }
0x38: {  	s10 =	sld [smem:$0x3FB6]  }
0x39: {  	_ = 	snop;
	(pc) =	sbr.ind lr, $3  }
0x3a: {  	_ = 	snop  }
0x3b: {  	_ = 	snop  }
0x3c: {  	p2 =	seq.s32 s10, $0x1;
	s10 =	sld [smem:$0x3FB5]  }
0x3d: {  	_ =	shalt  }
0x3e: {  	_ =	shalt  }
0x3f: {  	_ =	shalt  }
0x40: {  	_ =	shalt  }
0x41: {  	_ =	shalt  }
0x42: {  	_ =	shalt  }
0x43: {  	_ =	shalt  }
0x44: {  	_ =	shalt  }
0x45: {  	_ =	shalt  }
0x46: {  	_ =	shalt  }
0x47: {  	_ =	shalt  }
0x48: {  	_ =	shalt  }
0x49: {  	_ =	shalt  }
0x4a: {  	_ =	shalt  }
0x4b: {  	_ =	shalt  }
0x4c: {  	_ =	shalt  }
0x4d: {  	_ =	shalt  }
0x4e: {  	_ =	shalt  }
0x4f: {  	_ =	shalt  }
0x50: {  	_ =	shalt  }
0x51: {  	_ =	shalt  }
0x52: {  	_ =	shalt  }
0x53: {  	_ =	shalt  }
0x54: {  	_ =	shalt  }
0x55: {  	_ =	shalt  }
0x56: {  	_ =	shalt  }
0x57: {  	_ =	shalt  }
0x58: {  	_ =	shalt  }
0x59: {  	_ =	shalt  }
0x5a: {  	_ =	shalt  }
0x5b: {  	_ =	shalt  }
0x5c: {  	_ =	shalt  }
0x5d: {  	_ =	shalt  }
0x5e: {  	_ =	shalt  }
0x5f: {  	_ =	shalt  }
0x60: {  	_ =	shalt  }
0x61: {  	_ =	shalt  }
0x62: {  	_ =	shalt  }
0x63: {  	_ =	shalt  }
0x64: {  	_ =	shalt  }
0x65: {  	_ =	shalt  }
0x66: {  	_ =	shalt  }
0x67: {  	_ =	shalt  }
0x68: {  	_ =	shalt  }
0x69: {  	_ =	shalt  }
0x6a: {  	_ =	shalt  }
0x6b: {  	_ =	shalt  }
0x6c: {  	_ =	shalt  }
0x6d: {  	_ =	shalt  }
0x6e: {  	_ =	shalt  }
0x6f: {  	_ =	shalt  }
0x70: {  	_ =	shalt  }
0x71: {  	_ =	shalt  }
0x72: {  	_ =	shalt  }
0x73: {  	_ =	shalt  }
0x74: {  	_ =	shalt  }
0x75: {  	_ =	shalt  }
0x76: {  	_ =	shalt  }
0x77: {  	_ =	shalt  }
0x78: {  	_ =	shalt  }
0x79: {  	_ =	shalt  }
0x7a: {  	_ =	shalt  }
0x7b: {  	_ =	shalt  }
0x7c: {  	_ =	shalt  }
0x7d: {  	_ =	shalt  }
0x7e: {  	_ =	shalt  }
0x7f: {  	_ =	shalt  }
0x80: {  	_ =	shalt  }
0x81: {  	_ =	shalt  }
0x82: {  	_ =	shalt  }
0x83: {  	_ =	shalt  }
0x84: {  	_ =	shalt  }
0x85: {  	_ =	shalt  }
0x86: {  	_ =	shalt  }
0x87: {  	_ =	shalt  }
.Lfunc_end0:
.L_simem_size_0:
called_computation.2_lowered:
.L_overlay_start_0:
0x88: {  	s2 =	sld [smem:$0x3FD9]  }
0x89: {  	s3 =	sld [smem:$0x3FFE];
	_ =	sdelay $0x1  }
0x8a: {  	s1 =	srdreg.scid  }
0x8b: {  	s0 =	sand.u32 $0x1, s1  }
0x8c: {  	s16 =	sshll.u32 s0, $0xA;
	s2 =	sadd.s32 s3, s2  }
0x8d: {  	s2 =	sadd.s32 s2, s16  }
0x8e: {  	[smem:$0x3FC1] =	sst s2  }
0x8f: {  	_ = 	snop  }
0x90: {  	(tm) =	ssettm $0x1  }
0x91: {  	s17 =	sld [smem:$0x3FFB];
	_ =	sdelay $0x3  }
0x92: {  	_ =	strace s17  }
0x93: {  	s2 =	sld [smem:$0x3FFC];
	_ =	sdelay $0x3  }
0x94: {  	_ =	strace s2  }
0x95: {  	s2 =	sld [smem:$0x3FFD];
	_ =	sdelay $0x3  }
0x96: {  	_ =	strace s2  }
0x97: {  	_ =	strace $0x8FFFFFFF  }
0x98: {  	s18 =	sld [smem:$0x3FDB];
	_ =	sdelay $0x1  }
0x99: {  	s19 =	simm.s32 $_scs_section_size  }
0x9a: {  	s4 =	simm.s32 $_size__tile_overlayer_lowered;
	s5 =	simm.s32 $_tile_overlayer_lowered  }
0x9b: {  	s22 =	simm.s32 $0x1BFF;
	s21 =	sshll.u32 s5, $0x1;
	s2 =	sadd.s32 s19, s18  }
0x9c: {  	s6 =	simm.s32 $0x0;
	s20 =	sshll.u32 s4, $0x1;
	s4 =	sadd.s32 s21, s2  }
0x9d: {  	[timem:s6], [sflag:s22] =	dma.local [hbm:s4], s20  }
0x9e: {  	_ =	swait.ge [sflag:s22], s20  }
0x9f: {  	s3 =	ssub.s32 $0x0, s20;
	[sflag:s22] =	ssyncset.done $0x0  }
0xa0: {  	[sflag:s22] =	ssyncadd.s32 s3;
	_ =	sdelay $0x1  }
0xa1: {  	s23 =	simm.s32 $0x1B8B  }
0xa2: {  	_ =	swait.ge [sflag:s23], $0x1  }
0xa3: {  	[sflag:s23] =	ssyncset.done $0x0  }
0xa4: {  	s25 =	simm.s32 $0x1B8E;
	s24 =	sld [smem:$0x3FFE];
	[sflag:s23] =	ssyncadd.s32 $0xFFFFFFFF  }
0xa5: {  	s26 =	simm.s32 $execute0_lowered;
	[smem:$0x3FD2] =	sst s25  }
0xa6: {  	s4 =	sshll.u32 s26, $0x1;
	_ =	strace $0x8000004C;
	[dreg:$0x1] =	wrdreg $0xFFFFFFFF  }
0xa7: {  	s28 =	simm.s32 $_size_execute0_lowered;
	s2 =	sadd.s32 s2, s4;
	[dreg:$0x0] =	wrdreg $0x0  }
0xa8: {  	s4 =	sshll.u32 s28, $0x1;
	[dreg:$0x2] =	wrdreg s2  }
0xa9: {  	[dreg:$0x3] =	wrdreg s4  }
0xaa: {  	[dreg:$0x4] =	wrdreg $0xC0  }
0xab: {  	_ =	task [dreg:s6], $0x5FFFF  }
0xac: {  	[dreg:$0x1] =	wrdreg $0xFFFFFFFF  }
0xad: {  	[dreg:$0x0] =	wrdreg $0x60  }
0xae: {  	[dreg:$0x2] =	wrdreg s24  }
0xaf: {  	[dreg:$0x3] =	wrdreg $0xA0000  }
0xb0: {  	[dreg:$0x4] =	wrdreg $0x9  }
0xb1: {  	_ =	task.clear_ibuf [dreg:s6], $0x5FFFF;
	_ =	strace $0x9000004C  }
0xb2: {  	s29 =	simm.s32 $0x9;
	_ =	strace $0x8000004E  }
0xb3: {  	_ =	swait.ge [sflag:s29], $0x1  }
0xb4: {  	[sflag:s29] =	ssyncadd.s32 $0xFFFFFFFF  }
0xb5: {  	_ =	strace $0x9000004E  }
0xb6: {  	_ =	sfence  }
0xb7: {  	s30 =	sld [smem:$0x0];
	_ =	sdelay $0x2  }
0xb8: {  	s31 =	sshll.u32 s1, $0xD;
	s1 =	sshrl.u32 s1, $0x2  }
0xb9: {  	s3 =	sand.u32 $0x4000, s31;
	s1 =	sadd.s32 s1, s30  }
0xba: {  	s0 =	sor.u32 s3, s0;
	s1 =	sshll.u32 s1, $0x11  }
0xbb: {  	s0 =	sor.u32 s1, s0  }
0xbc: {  	s0 =	sadd.s32 $0x8F2B, s0  }
0xbd: {  	[sflag:s0] =	ssyncadd.remote.s32 $0x1  }
0xbe: {  	_ =	sfence.sel $0xFFFF  }
0xbf: {  	[dreg:$0x0] =	wrdreg $0xFFFFFFFF;
	(pc) =	sbr.abs _section_cstart, $3  }
0xc0: {  	[dreg:$0x1] =	wrdreg $0xFFFFFFFF  }
0xc1: {  	_ =	task.clear_ibuf [dreg:s6], $0x2FFFF;
	_ =	strace $0x9FFFFFFF  }
0xc2: {  	(tm) =	ssettm $0x7FFFFFFF  }
0xc3: {  	_ =	shalt  }
tec
execute0_lowered:
.L_overlay_start_1:
0x0: {  	(tag) =	ssettag $0x1  }
0x1: {  	s5 =	rddreg [dreg:$0x0]  }
0x2: {  	s0 =	srdreg.scid;
	s2 =	rddreg [dreg:$0x1]  }
0x3: {  	s1 =	stileid.u32;
	s3 =	simm.s32 $0x0;
	s22 =	simm.s32 $0x1  }
0x4: {  	s18 =	sand.u32 $0x1, s0;
	s0 =	rddreg [dreg:$0x2];
	s7 =	smul.u32 $0x50000, s1  }
0x5: {  	s23 =	simm.s32 $0x0;
	[smem:$0x7FF] =	sst s3;
	s10 =	smul.u32 $0x14000, s1  }
0x6: {  	s16 =	sadd.s32 $0x6B400, s5;
	s4 =	sshll.u32 s18, $0x4;
	_ =	strace $0x8000004D  }
0x7: {  	s28 =	ssub.s32 $0x2, s18;
	s15 =	smul.u32 $0x140000, s18;
	p0 =	sne.s32 s18, $0x0  }
0x8: {  	s18 =	simm.s32 $0x6000;
	s4 =	sor.u32 s1, s4;
	s29 =	sshrl.u32 s28, $0x1  }
0x9: {  	s7 =	sshrl.u32 s7, $0x2;
	s12 =	sadd.s32 $0x4000, s10;
	s14 =	sadd.s32 $0x8000, s10  }
0xa: {  	s19 =	sadd.s32 $0xC000, s10;
	s20 =	sadd.s32 $0x10000, s10;
	s6 =	smul.u32 $0x600, s4  }
0xb: {  	s4 =	sadd.s32 $0x1B400, s5;
	s17 =	ssub.s32 s28, s29;
	s8 =	sadd.s32 s19, s2  }
0xc: {  	s9 =	sadd.s32 s20, s2;
	s13 =	sadd.s32 s10, s15;
	s21 =	sadd.s32 s15, s12  }
0xd: {  	s19 =	sadd.s32 s15, s19;
	s20 =	sadd.s32 s15, s20;
	s13 =	sshrl.u32 s13, $0x3  }
0xe: {  	s30 =	sshrl.u32 s21, $0x3;
	s19 =	sshrl.u32 s19, $0x3;
	s31 =	sshrl.u32 s20, $0x3  }
0xf: {  	s17 =	smax.u32 s17, $0x1;
	s20 =	simm.s32 $0x3000;
	s21 =	simm.s32 $0x80  }
.Ltmp0:
0x10: {  	s11 =	sadd.s32 s6, s5;
	s5 =	sadd.s32 s7, s2;
	(pc) =	sbr.rel .LBB2_1-.Ltmp0, $4  }
0x11: {  	s6 =	sadd.s32 s12, s2;
	s7 =	sadd.s32 s14, s2;
	s12 =	sadd.s32 s16, s13  }
0x12: {  	s13 =	sadd.s32 s16, s30;
	s14 =	sadd.s32 s15, s14;
	s15 =	sadd.s32 s16, s19  }
0x13: {  	s19 =	simm.s32 $0x2;
	s10 =	sadd.s32 $0x3400, s11;
	s14 =	sshrl.u32 s14, $0x3  }
0x14: {  	v0 =	vimm.f32 $0.0e+00;
	s11 =	sadd.s32 $0xF400, s11;
	s14 =	sadd.s32 s16, s14;
	s16 =	sadd.s32 s16, s31  }
.LBB2_9:
0x15: {  	s24 =	sshra.s32 s24, $0x2;
	[sflag:s19] =	ssyncadd.s32 $0xFFFFC000  }
0x16: {  	[tilespmem:s18], [sflag:$0x1] =	stream.indirect.gather [hbm4b:s4+s21], $0x80, s24, s21, $0xb8;
	[tilespmem:$0x1E000] =	vst v63  }
0x17: {  	_ =	swait.ge [sflag:s22], $0x4000  }
0x18: {  	[sflag:s22] =	ssyncset.done $0x0  }
0x19: {  	s24 =	sadd.s32 $0x3000, s24;
	[sflag:s22] =	ssyncadd.s32 $0xFFFFC000  }
0x1a: {  	[spmem:s2] =	stream.indirect.scatter.add.f32 [tilespmem:s18], [sflag:$0x2], $0x80, s24, s21, $0xb8;
	[tilespmem:$0x1E000] =	vst v63  }
0x1b: {  	_ =	swait.ge [sflag:s19], $0x4000  }
0x1c: {  	[sflag:s19] =	ssyncset.done $0x0  }
0x1d: {  	[sflag:s19] =	ssyncadd.s32 $0xFFFFC000  }
.LBB2_10:
0x1e: {  	s24 =	sshll.u32 s1, $0x6  }
0x1f: {  	[bflag:$0x0] =	sbarrier.arrive $0xFFFF;
	s25 =	sshrl.u32 s5, $0x3;
	s24 =	sor.u32 $0x1C02, s24  }
0x20: {  	[hbm:s12], [sflag:s24] =	dma.local [spmem:s25], $0x800  }
0x21: {  	_ =	swait.ge [sflag:s19], $0x800  }
0x22: {  	[sflag:s19] =	ssyncset.done $0x0  }
0x23: {  	s28 =	sshrl.u32 s6, $0x3;
	[sflag:s19] =	ssyncadd.s32 $0xFFFFF800  }
0x24: {  	[hbm:s13], [sflag:s24] =	dma.local [spmem:s28], $0x800  }
0x25: {  	_ =	swait.ge [sflag:s19], $0x800  }
0x26: {  	[sflag:s19] =	ssyncset.done $0x0  }
0x27: {  	s29 =	sshrl.u32 s7, $0x3;
	[sflag:s19] =	ssyncadd.s32 $0xFFFFF800  }
0x28: {  	[hbm:s14], [sflag:s24] =	dma.local [spmem:s29], $0x800  }
0x29: {  	_ =	swait.ge [sflag:s19], $0x800  }
0x2a: {  	[sflag:s19] =	ssyncset.done $0x0  }
0x2b: {  	s30 =	sshrl.u32 s8, $0x3;
	[sflag:s19] =	ssyncadd.s32 $0xFFFFF800  }
0x2c: {  	[hbm:s15], [sflag:s24] =	dma.local [spmem:s30], $0x800  }
0x2d: {  	s23 =	sadd.s32 $0x1, s23;
	_ =	swait.ge [sflag:s19], $0x800  }
0x2e: {  	p1 =	sne.s32 s23, s17;
	[sflag:s19] =	ssyncset.done $0x0  }
.Ltmp1:
0x2f: {  	s31 =	sshrl.u32 s9, $0x3;
	[sflag:s19] =	ssyncadd.s32 $0xFFFFF800;
	(pc) =	sbr.rel @!p1 .LBB2_11-.Ltmp1, $4  }
0x30: {  	[hbm:s16], [sflag:s24] =	dma.local [spmem:s31], $0x800  }
0x31: {  	_ =	swait.ge [sflag:s19], $0x800  }
0x32: {  	[sflag:s19] =	ssyncset.done $0x0  }
0x33: {  	[sflag:s19] =	ssyncadd.s32 $0xFFFFF800  }
.LBB2_1:
0x34: {  	s24 =	simm.s32 $0x0  }
0x35: {  	s25 =	sand.u32 $0xFFFFFF80, s24  }
0x36: {  	s25 =	ssub.s32 $0x0, s25  }
0x37: {  	s24 =	sand.u32 $0x3FFFFF80, s24;
	s25 =	sand.u32 $0xFFFFFF80, s25  }
0x38: {  	s26 =	sand.u32 $0x70, s3;
	s25 =	sadd.s32 s25, s24  }
0x39: {  	s24 =	simm.s32 $0x1;
	s26 =	sor.u32 s26, s25;
	s25 =	simm.s32 $0x0  }
.LBB2_2:
0x3a: {  	s28 =	sshll.u32 s24, $0x4;
	p1 =	sne.s32 s24, $0x3FF;
	s24 =	sadd.s32 $0x1, s24;
	[tilespmem:s26+$0x6000] =	vst v0  }
.Ltmp2:
0x3b: {  	s25 =	sadd.s32 $0x10, s25;
	s26 =	sand.u32 $0xFFFFFF80, s28;
	(pc) =	sbr.rel @p1 .LBB2_2-.Ltmp2, $4  }
0x3c: {  	s26 =	ssub.s32 s25, s26  }
0x3d: {  	s28 =	sand.u32 $0x3FFFFF80, s28;
	s26 =	sand.u32 $0xFFFFFF80, s26  }
0x3e: {  	s29 =	sand.u32 $0x70, s25;
	s26 =	sadd.s32 s26, s28  }
0x3f: {  	s26 =	sor.u32 s29, s26  }
0x40: {  	[tilespmem:s26+$0x6000] =	vst v0  }
0x41: {  	[spmem:s5] =	stream.linear.scatter [tilespmem:s18], [sflag:$0x2], $0x4000, $0x38;
	[tilespmem:$0x1E000] =	vst v63  }
0x42: {  	_ =	swait.ge [sflag:s19], $0x4000  }
0x43: {  	[sflag:s19] =	ssyncset.done $0x0  }
0x44: {  	[sflag:s19] =	ssyncadd.s32 $0xFFFFC000  }
0x45: {  	[spmem:s6] =	stream.linear.scatter [tilespmem:s18], [sflag:$0x2], $0x4000, $0x38;
	[tilespmem:$0x1E000] =	vst v63  }
0x46: {  	_ =	swait.ge [sflag:s19], $0x4000  }
0x47: {  	[sflag:s19] =	ssyncset.done $0x0  }
0x48: {  	[sflag:s19] =	ssyncadd.s32 $0xFFFFC000  }
0x49: {  	[spmem:s7] =	stream.linear.scatter [tilespmem:s18], [sflag:$0x2], $0x4000, $0x38;
	[tilespmem:$0x1E000] =	vst v63  }
0x4a: {  	_ =	swait.ge [sflag:s19], $0x4000  }
0x4b: {  	[sflag:s19] =	ssyncset.done $0x0  }
0x4c: {  	[sflag:s19] =	ssyncadd.s32 $0xFFFFC000  }
0x4d: {  	[spmem:s8] =	stream.linear.scatter [tilespmem:s18], [sflag:$0x2], $0x4000, $0x38;
	[tilespmem:$0x1E000] =	vst v63  }
0x4e: {  	_ =	swait.ge [sflag:s19], $0x4000  }
0x4f: {  	[sflag:s19] =	ssyncset.done $0x0  }
0x50: {  	[sflag:s19] =	ssyncadd.s32 $0xFFFFC000  }
0x51: {  	[spmem:s9] =	stream.linear.scatter [tilespmem:s18], [sflag:$0x2], $0x4000, $0x38;
	[tilespmem:$0x1E000] =	vst v63  }
0x52: {  	_ =	swait.ge [sflag:s19], $0x4000  }
0x53: {  	[sflag:s19] =	ssyncset.done $0x0  }
0x54: {  	[sflag:s19] =	ssyncadd.s32 $0xFFFFC000  }
0x55: {  	s24 =	simm.s32 $0x0;
	[bflag:$0x0] =	sbarrier.arrive $0xFFFF  }
0x56: {  	[tilespmem:s24], [sflag:$0x2] =	stream.linear.gather [hbm4b:s10+s24], $0x3000, $0x38;
	[tilespmem:$0x1E000] =	vst v63  }
0x57: {  	_ =	swait.ge [sflag:s19], $0x3000  }
0x58: {  	[sflag:s19] =	ssyncset.done $0x0  }
.Ltmp3:
0x59: {  	[sflag:s19] =	ssyncadd.s32 $0xFFFFD000;
	(pc) =	sbr.rel @p0 .LBB2_7-.Ltmp3, $4  }
0x5a: {  	[tilespmem:s20], [sflag:$0x2] =	stream.linear.gather [hbm4b:s11+s24], $0x3000, $0x38;
	[tilespmem:$0x1E000] =	vst v63  }
0x5b: {  	_ =	swait.ge [sflag:s19], $0x3000  }
0x5c: {  	[sflag:s19] =	ssyncset.done $0x0  }
0x5d: {  	s24 =	simm.s32 $0x0;
	[sflag:s19] =	ssyncadd.s32 $0xFFFFD000  }
0x5e: {  	[tilespmem:s18], [sflag:$0x1] =	stream.indirect.gather [hbm4b:s4+s21], $0x80, s24, s21, $0xb8;
	[tilespmem:$0x1E000] =	vst v63  }
0x5f: {  	_ =	swait.ge [sflag:s22], $0x4000  }
0x60: {  	[sflag:s22] =	ssyncset.done $0x0  }
0x61: {  	s31 =	simm.s32 $0x3000;
	[sflag:s22] =	ssyncadd.s32 $0xFFFFC000  }
0x62: {  	[spmem:s2] =	stream.indirect.scatter.add.f32 [tilespmem:s18], [sflag:$0x2], $0x80, s31, s21, $0xb8;
	[tilespmem:$0x1E000] =	vst v63  }
0x63: {  	_ =	swait.ge [sflag:s19], $0x4000  }
0x64: {  	s24 =	simm.s32 $0x200;
	s25 =	simm.s32 $0x400;
	[sflag:s19] =	ssyncset.done $0x0  }
.LBB2_5:
0x65: {  	s26 =	sshra.s32 s24, $0x2  }
0x66: {  	[sflag:s19] =	ssyncadd.s32 $0xFFFFC000;
	s24 =	smov.u32 s25;
	s28 =	sadd.s32 $0x200, s25  }
0x67: {  	[tilespmem:s18], [sflag:$0x1] =	stream.indirect.gather [hbm4b:s4+s21], $0x80, s26, s21, $0xb8;
	[tilespmem:$0x1E000] =	vst v63  }
0x68: {  	p1 =	seq.s32 s25, $0xBE00;
	_ =	swait.ge [sflag:s22], $0x4000  }
.Ltmp4:
0x69: {  	[sflag:s22] =	ssyncset.done $0x0;
	(pc) =	sbr.rel @!p1 .LBB2_5-.Ltmp4, $4  }
0x6a: {  	s25 =	sadd.s32 $0x3000, s26;
	[sflag:s22] =	ssyncadd.s32 $0xFFFFC000  }
0x6b: {  	[spmem:s2] =	stream.indirect.scatter.add.f32 [tilespmem:s18], [sflag:$0x2], $0x80, s25, s21, $0xb8;
	[tilespmem:$0x1E000] =	vst v63  }
0x6c: {  	_ =	swait.ge [sflag:s19], $0x4000  }
0x6d: {  	s25 =	smov.u32 s28;
	[sflag:s19] =	ssyncset.done $0x0  }
0x6e: {  	s24 =	sshra.s32 s24, $0x2;
	[sflag:s19] =	ssyncadd.s32 $0xFFFFC000  }
0x6f: {  	[tilespmem:s18], [sflag:$0x1] =	stream.indirect.gather [hbm4b:s4+s21], $0x80, s24, s21, $0xb8;
	[tilespmem:$0x1E000] =	vst v63  }
0x70: {  	_ =	swait.ge [sflag:s22], $0x4000  }
0x71: {  	[sflag:s22] =	ssyncset.done $0x0  }
.Ltmp5:
0x72: {  	s24 =	sadd.s32 $0x3000, s24;
	[sflag:s22] =	ssyncadd.s32 $0xFFFFC000;
	(pc) =	sbr.rel .LBB2_10-.Ltmp5, $4  }
0x73: {  	[spmem:s2] =	stream.indirect.scatter.add.f32 [tilespmem:s18], [sflag:$0x2], $0x80, s24, s21, $0xb8;
	[tilespmem:$0x1E000] =	vst v63  }
0x74: {  	_ =	swait.ge [sflag:s19], $0x4000  }
0x75: {  	[sflag:s19] =	ssyncset.done $0x0  }
0x76: {  	[sflag:s19] =	ssyncadd.s32 $0xFFFFC000  }
.LBB2_7:
0x77: {  	[tilespmem:s18], [sflag:$0x1] =	stream.indirect.gather [hbm4b:s4+s21], $0x80, s24, s21, $0xb8;
	[tilespmem:$0x1E000] =	vst v63  }
0x78: {  	_ =	swait.ge [sflag:s22], $0x4000  }
0x79: {  	[sflag:s22] =	ssyncset.done $0x0  }
0x7a: {  	s31 =	simm.s32 $0x3000;
	[sflag:s22] =	ssyncadd.s32 $0xFFFFC000  }
0x7b: {  	[spmem:s2] =	stream.indirect.scatter.add.f32 [tilespmem:s18], [sflag:$0x2], $0x80, s31, s21, $0xb8;
	[tilespmem:$0x1E000] =	vst v63  }
0x7c: {  	_ =	swait.ge [sflag:s19], $0x4000  }
0x7d: {  	s24 =	simm.s32 $0x200;
	s25 =	simm.s32 $0x400;
	[sflag:s19] =	ssyncset.done $0x0  }
.LBB2_8:
0x7e: {  	s26 =	sshra.s32 s24, $0x2  }
0x7f: {  	[sflag:s19] =	ssyncadd.s32 $0xFFFFC000;
	s24 =	smov.u32 s25;
	s28 =	sadd.s32 $0x200, s25  }
0x80: {  	[tilespmem:s18], [sflag:$0x1] =	stream.indirect.gather [hbm4b:s4+s21], $0x80, s26, s21, $0xb8;
	[tilespmem:$0x1E000] =	vst v63  }
0x81: {  	p1 =	sne.s32 s25, $0x7E00;
	_ =	swait.ge [sflag:s22], $0x4000  }
.Ltmp6:
0x82: {  	[sflag:s22] =	ssyncset.done $0x0;
	(pc) =	sbr.rel @p1 .LBB2_8-.Ltmp6, $4  }
0x83: {  	s25 =	sadd.s32 $0x3000, s26;
	[sflag:s22] =	ssyncadd.s32 $0xFFFFC000  }
0x84: {  	[spmem:s2] =	stream.indirect.scatter.add.f32 [tilespmem:s18], [sflag:$0x2], $0x80, s25, s21, $0xb8;
	[tilespmem:$0x1E000] =	vst v63  }
0x85: {  	_ =	swait.ge [sflag:s19], $0x4000  }
0x86: {  	s25 =	smov.u32 s28;
	[sflag:s19] =	ssyncset.done $0x0  }
.Ltmp7:
0x87: {  	_ = 	snop;
	(pc) =	sbr.rel .LBB2_9-.Ltmp7, $1  }
0x88: {  	_ =	sdelay $0x3  }
.LBB2_11:
0x89: {  	_ =	sfence.sel $0x180000  }
0x8a: {  	[bflag:$0x0] =	sbarrier.arrive $0xFFFF  }
0x8b: {  	p0 =	sne.s32 s1, $0x0;
	_ =	strace $0x9000004D  }
0x8c: {  	s0 =	sadd.s32 @!p0 $0x100000, s0;
	[bflag:$0x2] =	sbarrier.arrive $0xFFFF  }
0x8d: {  	[sflag:s0] =	ssyncadd.tile.s32 @!p0 $0x1;
	_ =	shalt  }
.Lfunc_end2:
_tile_overlayer_lowered:
.L_overlay_start_2:
0x8e: {  	(tag) =	ssettag $0x2  }
0x8f: {  	s0 =	rddreg [dreg:$0x0];
	s2 =	stileid.u32  }
0x90: {  	s1 =	rddreg [dreg:$0x1];
	p0 =	sne.s32 s2, $0x0  }
0x91: {  	s3 =	rddreg [dreg:$0x2];
	[bflag:$0x3] =	sbarrier.arrive $0xFFFF;
	s2 =	simm.s32 @!p0 $0x1C02  }
0x92: {  	[timem:s3], [sflag:s2] =	dma.local @!p0 [hbm:s0], s1  }
0x93: {  	s0 =	simm.s32 @!p0 $0x2  }
0x94: {  	_ =	swait.ge @!p0 [sflag:s0], s1  }
0x95: {  	s1 =	ssub.s32 @!p0 $0x0, s1;
	[sflag:s0] =	ssyncset.done @!p0 $0x0  }
0x96: {  	[sflag:s0] =	ssyncadd.s32 @!p0 s1  }
0x97: {  	[bflag:$0x3] =	sbarrier.arrive $0xFFFF  }
0x98: {  	_ =	shalt  }

// kernel: kernel.8.cloned.1.call-start
scs
__scs_entry_jumppad:
0x0: {  	(pc) =	sbr.rel $0x88, $3  }
0x1: {  	(tag) =	ssettag $0x0;
	lr =	simm.s32 $0x1  }
0x2: {  	[smem:$0x3F9A] =	sst lr;
	_ =	strace $0xD0000000  }
0x3: {  	_ = 	snop  }
0x4: {  	_ = 	snop  }
0x5: {  	_ = 	snop  }
0x6: {  	_ = 	snop  }
0x7: {  	_ = 	snop  }
__scs_overlays_trampoline_lowered:
0x8: {  	[smem:$0x3FA9] =	sst s0  }
0x9: {  	[smem:$0x3FAA] =	sst s1  }
0xa: {  	[smem:$0x3FAB] =	sst s2  }
0xb: {  	[smem:$0x3FAC] =	sst s3  }
0xc: {  	[smem:$0x3FAD] =	sst s4  }
0xd: {  	[smem:$0x3FAE] =	sst s5  }
0xe: {  	[smem:$0x3FAF] =	sst s6  }
0xf: {  	[smem:$0x3FB0] =	sst s7  }
0x10: {  	[smem:$0x3FB1] =	sst s8  }
0x11: {  	[smem:$0x3FB2] =	sst s9;
	s0 =	simm.s32 @!p0 $0x0  }
0x12: {  	s1 =	sld [smem:$0x3F98];
	s0 =	simm.s32 @p0 $0x1  }
0x13: {  	[smem:$0x3FB3] =	sst s0;
	s0 =	simm.s32 @!p1 $0x0  }
0x14: {  	s2 =	sld [smem:$0x3F97];
	s0 =	simm.s32 @p1 $0x1  }
0x15: {  	[smem:$0x3FB4] =	sst s0;
	s0 =	simm.s32 @!p2 $0x0  }
0x16: {  	s3 =	sld [smem:$0x3FDB];
	s0 =	simm.s32 @p2 $0x1  }
0x17: {  	s4 =	simm.s32 $0x1BF5;
	[smem:$0x3FB6] =	sst s0  }
0x18: {  	s0 =	sld [smem:$0x3F99];
	_ =	swait.ge [sflag:s4], $0x0  }
0x19: {  	s7 =	sld [smem:$0x3F9A]  }
0x1a: {  	s8 =	sadd.s32 $0xFFFFE003, lr  }
0x1b: {  	s9 =	sadd.s32 $0xFFFFFEF7, lr;
	s5 =	simm.s32 $0xFFFFFFFF;
	p2 =	slt.u32 s8, $0xFFFFF086  }
0x1c: {  	p1 =	slt.u32 s9, $0xF7A;
	s5 =	simm.s32 @!p2 $0x0  }
0x1d: {  	s5 =	simm.s32 @p1 $0x1;
	p0 =	seq.s32 s7, s2  }
0x1e: {  	s7 =	smul.u32 @!p0 $0xF7A, s2;
	p2 =	seq.s32 @!p0 s5, $0x0  }
0x1f: {  	s9 =	smul.u32 $0xF7A, s1;
	s8 =	simm.s32 @!p0 $0x1BF5;
	p2 =	por !p2, p0  }
0x20: {  	[sflag:s8] =	ssyncset.s32 @!p0 $0xFFFFF086;
	s6 =	sadd.s32 @!p0 s3, s7;
	s7 =	simm.s32 @!p0 $0x108  }
0x21: {  	s3 =	sadd.s32 s3, s9;
	s6 =	sadd.s32 @!p0 $0x88, s6;
	s7 =	simm.s32 @p2 $0x1082  }
0x22: {  	[simem:s7], [sflag:s8] =	dma.local @!p0 [hbm:s6], $0xF7A  }
0x23: {  	s9 =	sor.u32 $0xD0000000, s2;
	s6 =	simm.s32 $0x108;
	_ =	swait.ge @!p0 [sflag:s8], $0x0  }
0x24: {  	s3 =	sadd.s32 $0x88, s3;
	s6 =	simm.s32 @!p1 $0x1082;
	[sflag:s4] =	ssyncset.s32 $0xFFFFF086  }
0x25: {  	[simem:s6], [sflag:s4] =	dma.local [hbm:s3], $0xF7A  }
0x26: {  	[smem:$0x3F9A] =	sst s1;
	(tag) =	ssettag s2;
	_ =	strace s9  }
0x27: {  	s1 =	sld [smem:$0x3FAA]  }
0x28: {  	s2 =	sld [smem:$0x3FAB]  }
0x29: {  	s4 =	sld [smem:$0x3FAD]  }
0x2a: {  	p0 =	seq.s32 s5, $0x0;
	s5 =	sld [smem:$0x3FAE]  }
0x2b: {  	s6 =	sld [smem:$0x3FAF]  }
0x2c: {  	s7 =	sld [smem:$0x3FB0]  }
0x2d: {  	s3 =	simm.s32 $0x108;
	s8 =	sld [smem:$0x3FB1]  }
0x2e: {  	s3 =	simm.s32 @!p0 $0x1082;
	s9 =	sld [smem:$0x3FB2]  }
0x2f: {  	lr =	sadd.s32 s0, s3;
	s0 =	sld [smem:$0x3FA9]  }
0x30: {  	s3 =	sld [smem:$0x3FAC]  }
0x31: {  	[smem:$0x3FB5] =	sst s10  }
0x32: {  	s10 =	sld [smem:$0x3FB3];
	_ =	sdelay $0x3  }
0x33: {  	p0 =	seq.s32 s10, $0x1;
	s10 =	sld [smem:$0x3FB5];
	_ =	sdelay $0x3  }
0x34: {  	[smem:$0x3FB5] =	sst s10  }
0x35: {  	s10 =	sld [smem:$0x3FB4];
	_ =	sdelay $0x3  }
0x36: {  	p1 =	seq.s32 s10, $0x1;
	s10 =	sld [smem:$0x3FB5];
	_ =	sdelay $0x3  }
0x37: {  	[smem:$0x3FB5] =	sst s10  }
0x38: {  	s10 =	sld [smem:$0x3FB6]  }
0x39: {  	_ = 	snop;
	(pc) =	sbr.ind lr, $3  }
0x3a: {  	_ = 	snop  }
0x3b: {  	_ = 	snop  }
0x3c: {  	p2 =	seq.s32 s10, $0x1;
	s10 =	sld [smem:$0x3FB5]  }
0x3d: {  	_ =	shalt  }
0x3e: {  	_ =	shalt  }
0x3f: {  	_ =	shalt  }
0x40: {  	_ =	shalt  }
0x41: {  	_ =	shalt  }
0x42: {  	_ =	shalt  }
0x43: {  	_ =	shalt  }
0x44: {  	_ =	shalt  }
0x45: {  	_ =	shalt  }
0x46: {  	_ =	shalt  }
0x47: {  	_ =	shalt  }
0x48: {  	_ =	shalt  }
0x49: {  	_ =	shalt  }
0x4a: {  	_ =	shalt  }
0x4b: {  	_ =	shalt  }
0x4c: {  	_ =	shalt  }
0x4d: {  	_ =	shalt  }
0x4e: {  	_ =	shalt  }
0x4f: {  	_ =	shalt  }
0x50: {  	_ =	shalt  }
0x51: {  	_ =	shalt  }
0x52: {  	_ =	shalt  }
0x53: {  	_ =	shalt  }
0x54: {  	_ =	shalt  }
0x55: {  	_ =	shalt  }
0x56: {  	_ =	shalt  }
0x57: {  	_ =	shalt  }
0x58: {  	_ =	shalt  }
0x59: {  	_ =	shalt  }
0x5a: {  	_ =	shalt  }
0x5b: {  	_ =	shalt  }
0x5c: {  	_ =	shalt  }
0x5d: {  	_ =	shalt  }
0x5e: {  	_ =	shalt  }
0x5f: {  	_ =	shalt  }
0x60: {  	_ =	shalt  }
0x61: {  	_ =	shalt  }
0x62: {  	_ =	shalt  }
0x63: {  	_ =	shalt  }
0x64: {  	_ =	shalt  }
0x65: {  	_ =	shalt  }
0x66: {  	_ =	shalt  }
0x67: {  	_ =	shalt  }
0x68: {  	_ =	shalt  }
0x69: {  	_ =	shalt  }
0x6a: {  	_ =	shalt  }
0x6b: {  	_ =	shalt  }
0x6c: {  	_ =	shalt  }
0x6d: {  	_ =	shalt  }
0x6e: {  	_ =	shalt  }
0x6f: {  	_ =	shalt  }
0x70: {  	_ =	shalt  }
0x71: {  	_ =	shalt  }
0x72: {  	_ =	shalt  }
0x73: {  	_ =	shalt  }
0x74: {  	_ =	shalt  }
0x75: {  	_ =	shalt  }
0x76: {  	_ =	shalt  }
0x77: {  	_ =	shalt  }
0x78: {  	_ =	shalt  }
0x79: {  	_ =	shalt  }
0x7a: {  	_ =	shalt  }
0x7b: {  	_ =	shalt  }
0x7c: {  	_ =	shalt  }
0x7d: {  	_ =	shalt  }
0x7e: {  	_ =	shalt  }
0x7f: {  	_ =	shalt  }
0x80: {  	_ =	shalt  }
0x81: {  	_ =	shalt  }
0x82: {  	_ =	shalt  }
0x83: {  	_ =	shalt  }
0x84: {  	_ =	shalt  }
0x85: {  	_ =	shalt  }
0x86: {  	_ =	shalt  }
0x87: {  	_ =	shalt  }
.Lfunc_end0:
.L_simem_size_0:
called_computation_lowered:
.L_overlay_start_0:
0x88: {  	s2 =	sld [smem:$0x3FD9]  }
0x89: {  	s3 =	sld [smem:$0x3FFE];
	_ =	sdelay $0x1  }
0x8a: {  	s1 =	srdreg.scid  }
0x8b: {  	s0 =	sand.u32 $0x1, s1  }
0x8c: {  	s17 =	sshll.u32 s0, $0xA;
	s2 =	sadd.s32 s3, s2  }
0x8d: {  	s2 =	sadd.s32 s2, s17  }
0x8e: {  	[smem:$0x3FC1] =	sst s2  }
0x8f: {  	_ = 	snop  }
0x90: {  	s2 =	sld [smem:$0x3FD0];
	(tm) =	ssettm $0x1  }
0x91: {  	s18 =	sld [smem:$0x3FFB];
	_ =	sdelay $0x3  }
0x92: {  	_ =	strace s18  }
0x93: {  	s3 =	sld [smem:$0x3FFC];
	_ =	sdelay $0x3  }
0x94: {  	_ =	strace s3  }
0x95: {  	s3 =	sld [smem:$0x3FFD];
	_ =	sdelay $0x3  }
0x96: {  	_ =	strace s3  }
0x97: {  	_ =	strace $0x8FFFFFFF  }
0x98: {  	s19 =	sld [smem:$0x3FDB];
	_ =	sdelay $0x1  }
0x99: {  	s4 =	simm.s32 $_scs_section_size  }
0x9a: {  	s5 =	simm.s32 $_size__tile_overlayer_lowered;
	s6 =	simm.s32 $_tile_overlayer_lowered  }
0x9b: {  	s22 =	simm.s32 $0x1BFF;
	s21 =	sshll.u32 s6, $0x1;
	s3 =	sadd.s32 s4, s19  }
0x9c: {  	s7 =	simm.s32 $0x0;
	s20 =	sshll.u32 s5, $0x1;
	s5 =	sadd.s32 s21, s3  }
0x9d: {  	[timem:s7], [sflag:s22] =	dma.local [hbm:s5], s20  }
0x9e: {  	_ =	swait.ge [sflag:s22], s20  }
0x9f: {  	s4 =	ssub.s32 $0x0, s20;
	[sflag:s22] =	ssyncset.done $0x0  }
0xa0: {  	[sflag:s22] =	ssyncadd.s32 s4;
	_ =	sdelay $0x1  }
0xa1: {  	s23 =	simm.s32 $0x1B8B  }
0xa2: {  	_ =	swait.ge [sflag:s23], $0x1  }
0xa3: {  	[sflag:s23] =	ssyncset.done $0x0  }
0xa4: {  	s25 =	simm.s32 $0x1B8E;
	s24 =	sld [smem:$0x3FFE];
	[sflag:s23] =	ssyncadd.s32 $0xFFFFFFFF  }
0xa5: {  	s26 =	simm.s32 $execute0_lowered;
	[smem:$0x3FD2] =	sst s25  }
0xa6: {  	s5 =	sshll.u32 s26, $0x1;
	_ =	strace $0x80000046;
	[dreg:$0x1] =	wrdreg $0xFFFFFFFF  }
0xa7: {  	s28 =	simm.s32 $_size_execute0_lowered;
	s3 =	sadd.s32 s3, s5;
	[dreg:$0x0] =	wrdreg $0x0  }
0xa8: {  	s5 =	sshll.u32 s28, $0x1;
	[dreg:$0x2] =	wrdreg s3  }
0xa9: {  	[dreg:$0x3] =	wrdreg s5  }
0xaa: {  	[dreg:$0x4] =	wrdreg $0xC0  }
0xab: {  	_ =	task [dreg:s7], $0x5FFFF  }
0xac: {  	[dreg:$0x1] =	wrdreg $0xFFFFFFFF  }
0xad: {  	[dreg:$0x0] =	wrdreg $0x60  }
0xae: {  	[dreg:$0x2] =	wrdreg s24  }
0xaf: {  	[dreg:$0x3] =	wrdreg s2  }
0xb0: {  	[dreg:$0x4] =	wrdreg $0x33000  }
0xb1: {  	[dreg:$0x5] =	wrdreg $0x9  }
0xb2: {  	_ =	task.clear_ibuf [dreg:s7], $0x6FFFF;
	_ =	strace $0x90000046  }
0xb3: {  	s29 =	simm.s32 $0x9;
	_ =	strace $0x80000048  }
0xb4: {  	_ =	swait.ge [sflag:s29], $0x1  }
0xb5: {  	[sflag:s29] =	ssyncadd.s32 $0xFFFFFFFF  }
0xb6: {  	_ =	strace $0x90000048  }
0xb7: {  	_ =	sfence  }
0xb8: {  	s30 =	sld [smem:$0x0];
	_ =	sdelay $0x2  }
0xb9: {  	s31 =	sshll.u32 s1, $0xD;
	s1 =	sshrl.u32 s1, $0x2  }
0xba: {  	s3 =	sand.u32 $0x4000, s31;
	s1 =	sadd.s32 s1, s30  }
0xbb: {  	s0 =	sor.u32 s3, s0;
	s1 =	sshll.u32 s1, $0x11  }
0xbc: {  	s0 =	sor.u32 s1, s0  }
0xbd: {  	s0 =	sadd.s32 $0x8F2B, s0  }
0xbe: {  	[sflag:s0] =	ssyncadd.remote.s32 $0x1  }
0xbf: {  	_ =	sfence.sel $0xFFFF  }
0xc0: {  	[dreg:$0x0] =	wrdreg $0xFFFFFFFF;
	(pc) =	sbr.abs _section_cstart, $3  }
0xc1: {  	[dreg:$0x1] =	wrdreg $0xFFFFFFFF  }
0xc2: {  	_ =	task.clear_ibuf [dreg:s7], $0x2FFFF;
	_ =	strace $0x9FFFFFFF  }
0xc3: {  	(tm) =	ssettm $0x7FFFFFFF  }
tec
execute0_lowered:
.L_overlay_start_1:
0x0: {  	(tag) =	ssettag $0x1  }
0x1: {  	s4 =	rddreg [dreg:$0x0]  }
0x2: {  	s6 =	rddreg [dreg:$0x1]  }
0x3: {  	s0 =	srdreg.scid;
	s2 =	rddreg [dreg:$0x2]  }
0x4: {  	s3 =	simm.s32 $0x0;
	s11 =	simm.s32 $0x3280;
	s14 =	simm.s32 $0x20  }
0x5: {  	s15 =	simm.s32 $0x10;
	s5 =	sand.u32 $0x1, s0;
	s0 =	stileid.u32  }
0x6: {  	s16 =	simm.s32 $0x0;
	[smem:$0x7FF] =	sst s3;
	s8 =	smul.u32 $0xA00, s0  }
0x7: {  	s1 =	sshll.u32 s5, $0x4;
	s9 =	ssub.s32 $0x2, s5;
	s10 =	smul.u32 $0x500, s0  }
0x8: {  	s5 =	sshll.u32 s5, $0x7;
	s12 =	sshll.u32 s0, $0x6;
	s7 =	sor.u32 s0, s1  }
0x9: {  	s1 =	rddreg [dreg:$0x3];
	_ =	strace $0x80000047;
	s28 =	sshrl.u32 s9, $0x1  }
0xa: {  	s12 =	sor.u32 $0x1C01, s12;
	s7 =	smul.u32 $0x600, s7;
	s9 =	ssub.s32 s9, s28  }
0xb: {  	s29 =	sshrl.u32 s8, $0x2;
	s30 =	sor.u32 s5, s10;
	s8 =	simm.s32 $0x3000  }
0xc: {  	s10 =	simm.s32 $0x80;
	s31 =	sshrl.u32 s30, $0x3;
	s7 =	sadd.s32 s7, s4  }
0xd: {  	s4 =	sadd.s32 s29, s2;
	s6 =	sadd.s32 s6, s31;
	s5 =	sadd.s32 $0xF400, s7  }
0xe: {  	v0 =	vimm.f32 $0.0e+00;
	v1 =	vimm.f32 $1.000000000e+00;
	s7 =	smax.u32 s9, $0x1;
	s9 =	simm.s32 $0x1;
	s13 =	sshrl.u32 s4, $0x3  }
.LBB2_1:
0xf: {  	[tilespmem:$0x3000] =	vst v0  }
0x10: {  	[tilespmem:$0x3010] =	vst v0  }
0x11: {  	[tilespmem:$0x3020] =	vst v0  }
0x12: {  	[tilespmem:$0x3030] =	vst v0  }
0x13: {  	[tilespmem:$0x3040] =	vst v0  }
0x14: {  	[tilespmem:$0x3050] =	vst v0  }
0x15: {  	[tilespmem:$0x3060] =	vst v0  }
0x16: {  	[tilespmem:$0x3070] =	vst v0  }
0x17: {  	[tilespmem:$0x3080] =	vst v0  }
0x18: {  	[tilespmem:$0x3090] =	vst v0  }
0x19: {  	[tilespmem:$0x30A0] =	vst v0  }
0x1a: {  	[tilespmem:$0x30B0] =	vst v0  }
0x1b: {  	[tilespmem:$0x30C0] =	vst v0  }
0x1c: {  	[tilespmem:$0x30D0] =	vst v0  }
0x1d: {  	[tilespmem:$0x30E0] =	vst v0  }
0x1e: {  	[tilespmem:$0x30F0] =	vst v0  }
0x1f: {  	[tilespmem:$0x3100] =	vst v0  }
0x20: {  	[tilespmem:$0x3110] =	vst v0  }
0x21: {  	[tilespmem:$0x3120] =	vst v0  }
0x22: {  	[tilespmem:$0x3130] =	vst v0  }
0x23: {  	[tilespmem:$0x3140] =	vst v0  }
0x24: {  	[tilespmem:$0x3150] =	vst v0  }
0x25: {  	[tilespmem:$0x3160] =	vst v0  }
0x26: {  	[tilespmem:$0x3170] =	vst v0  }
0x27: {  	[tilespmem:$0x3180] =	vst v0  }
0x28: {  	[tilespmem:$0x3190] =	vst v0  }
0x29: {  	[tilespmem:$0x31A0] =	vst v0  }
0x2a: {  	[tilespmem:$0x31B0] =	vst v0  }
0x2b: {  	[tilespmem:$0x31C0] =	vst v0  }
0x2c: {  	[tilespmem:$0x31D0] =	vst v0  }
0x2d: {  	[tilespmem:$0x31E0] =	vst v0  }
0x2e: {  	[tilespmem:$0x31F0] =	vst v0  }
0x2f: {  	[tilespmem:$0x3200] =	vst v0  }
0x30: {  	[tilespmem:$0x3210] =	vst v0  }
0x31: {  	[tilespmem:$0x3220] =	vst v0  }
0x32: {  	[tilespmem:$0x3230] =	vst v0  }
0x33: {  	[tilespmem:$0x3240] =	vst v0  }
0x34: {  	[tilespmem:$0x3250] =	vst v0  }
0x35: {  	[tilespmem:$0x3260] =	vst v0  }
0x36: {  	[tilespmem:$0x3270] =	vst v0  }
0x37: {  	[tilespmem:$0x3280] =	vst v1  }
0x38: {  	[tilespmem:$0x3290] =	vst v1  }
0x39: {  	[tilespmem:$0x32A0] =	vst v1  }
0x3a: {  	[tilespmem:$0x32B0] =	vst v1  }
0x3b: {  	[tilespmem:$0x32C0] =	vst v1  }
0x3c: {  	[tilespmem:$0x32D0] =	vst v1  }
0x3d: {  	[tilespmem:$0x32E0] =	vst v1  }
0x3e: {  	[tilespmem:$0x32F0] =	vst v1  }
0x3f: {  	[spmem:s4] =	stream.linear.scatter [tilespmem:s8], [sflag:$0x1], $0x280, $0x38;
	[tilespmem:$0x3580] =	vst v63  }
0x40: {  	_ =	swait.ge [sflag:s9], $0x280  }
0x41: {  	[sflag:s9] =	ssyncset.done $0x0  }
0x42: {  	[sflag:s9] =	ssyncadd.s32 $0xFFFFFD80  }
0x43: {  	[bflag:$0x0] =	sbarrier.arrive $0xFFFF  }
0x44: {  	[tilespmem:s3], [sflag:$0x1] =	stream.linear.gather [hbm4b:s5+s3], $0x3000, $0x38;
	[tilespmem:$0x3580] =	vst v63  }
0x45: {  	_ =	swait.ge [sflag:s9], $0x3000  }
0x46: {  	[sflag:s9] =	ssyncset.done $0x0  }
0x47: {  	s17 =	simm.s32 $0x0;
	[sflag:s9] =	ssyncadd.s32 $0xFFFFD000  }
0x48: {  	[spmem:s2] =	stream.indirect.scatter.add.f32 [tilespmem:s11], [sflag:$0x1], $0x1, s17, s10, $0xb8;
	[tilespmem:$0x3580] =	vst v63  }
0x49: {  	_ =	swait.ge [sflag:s9], $0x80  }
0x4a: {  	s17 =	simm.s32 $0x200;
	[sflag:s9] =	ssyncset.done $0x0  }
.LBB2_2:
0x4b: {  	s18 =	sshra.s32 s17, $0x2;
	[sflag:s9] =	ssyncadd.s32 $0xFFFFFF80;
	p0 =	sne.s32 s17, $0xBE00  }
0x4c: {  	[spmem:s2] =	stream.indirect.scatter.add.f32 [tilespmem:s11], [sflag:$0x1], $0x1, s18, s10, $0xb8;
	[tilespmem:$0x3580] =	vst v63  }
.Ltmp0:
0x4d: {  	_ = 	snop;
	(pc) =	sbr.rel @p0 .LBB2_2-.Ltmp0, $4  }
0x4e: {  	_ = 	snop  }
0x4f: {  	s17 =	sadd.s32 $0x200, s17  }
0x50: {  	_ =	swait.ge [sflag:s9], $0x80  }
0x51: {  	[sflag:s9] =	ssyncset.done $0x0  }
0x52: {  	s16 =	sadd.s32 $0x1, s16  }
0x53: {  	[sflag:s9] =	ssyncadd.s32 $0xFFFFFF80;
	p0 =	sne.s32 s16, s7  }
.Ltmp1:
0x54: {  	[bflag:$0x0] =	sbarrier.arrive $0xFFFF;
	(pc) =	sbr.rel @p0 .LBB2_1-.Ltmp1, $4  }
0x55: {  	[hbm:s6@s14], [sflag:s12] =	dma.strided [spmem:s13@s15], $0x50, s9, $0x10   }
0x56: {  	_ =	swait.ge [sflag:s9], $0x50  }
0x57: {  	[sflag:s9] =	ssyncset.done $0x0  }
0x58: {  	[sflag:s9] =	ssyncadd.s32 $0xFFFFFFB0  }
0x59: {  	_ =	sfence.sel $0x180000  }
0x5a: {  	[bflag:$0x0] =	sbarrier.arrive $0xFFFF  }
0x5b: {  	p0 =	sne.s32 s0, $0x0;
	_ =	strace $0x90000047  }
0x5c: {  	s0 =	sadd.s32 @!p0 $0x100000, s1;
	[bflag:$0x2] =	sbarrier.arrive $0xFFFF  }
0x5d: {  	[sflag:s0] =	ssyncadd.tile.s32 @!p0 $0x1;
	_ =	shalt  }
.Lfunc_end2:
_tile_overlayer_lowered:
.L_overlay_start_2:
0x5e: {  	(tag) =	ssettag $0x2  }
0x5f: {  	s0 =	rddreg [dreg:$0x0];
	s2 =	stileid.u32  }
0x60: {  	s1 =	rddreg [dreg:$0x1];
	p0 =	sne.s32 s2, $0x0  }
0x61: {  	s3 =	rddreg [dreg:$0x2];
	[bflag:$0x3] =	sbarrier.arrive $0xFFFF;
	s2 =	simm.s32 @!p0 $0x1C01  }
0x62: {  	[timem:s3], [sflag:s2] =	dma.local @!p0 [hbm:s0], s1  }
0x63: {  	s0 =	simm.s32 @!p0 $0x1  }
0x64: {  	_ =	swait.ge @!p0 [sflag:s0], s1  }
0x65: {  	s1 =	ssub.s32 @!p0 $0x0, s1;
	[sflag:s0] =	ssyncset.done @!p0 $0x0  }
0x66: {  	[sflag:s0] =	ssyncadd.s32 @!p0 s1  }
0x67: {  	[bflag:$0x3] =	sbarrier.arrive $0xFFFF  }
0x68: {  	_ =	shalt  }

</sc_bundles>
